<compile_context>
chip_gen: v7x
topology: tpu7x:2x2x1
jax: 0.10.2.dev20260603
libtpu: 0.0.44.dev20260713+nightly
codegen_flags: <defaults>
</compile_context>

<pallas_src>
import functools

import jax
import jax.numpy as jnp
from jax import lax
from jax.experimental import pallas as pl
from jax.experimental.pallas import tpu as pltpu
from jax.experimental.pallas import tpu_sc as plsc

MAXO = 30
IOU_T = 0.5
SCORE_T = 0.3
NPAD = 5120
NBLK = NPAD // 128


def _stage1_body(p_ref, f_ref, *, n):
  for bb in range(4):
        x = p_ref[bb]
        xt = x.T
        y1 = xt[0:1, :]
        x1 = xt[1:2, :]
        y2 = xt[2:3, :]
        x2 = xt[3:4, :]
        obj = xt[4:5, :]
        cls = xt[5:85, :]
        cs = obj * cls
        m = jnp.max(cs, axis=0, keepdims=True)
        eq = cs == m
        cidx = lax.broadcasted_iota(jnp.int32, cs.shape, 0)
        cl = jnp.min(jnp.where(eq, cidx, 80), axis=0, keepdims=True)
        cl = cl.astype(jnp.float32)
        score = jnp.where(m >= SCORE_T, m, 0.0)
        area = jnp.maximum(y2 - y1, 0.0) * jnp.maximum(x2 - x1, 0.0)
        sp = jnp.concatenate([y1, x1, y2, x2, score, cl, area], axis=0)
        f_ref[bb] = jnp.pad(sp, ((0, 0), (0, NPAD - n)))


def _make_nms(b):
    mesh = plsc.VectorSubcoreMesh(core_axis_name="c", subcore_axis_name="s")

    @functools.partial(
        pl.kernel,
        mesh=mesh,
        out_type=jax.ShapeDtypeStruct((b, 256), jnp.float32),
        compiler_params=pltpu.CompilerParams(needs_layout_passes=False),
        scratch_types=[
            pltpu.VMEM((7, NPAD), jnp.float32),
            pltpu.VMEM((48,), jnp.float32),
            pltpu.VMEM((5, 32), jnp.float32),
            pltpu.VMEM((256,), jnp.float32),
            pltpu.VMEM((16,), jnp.float32),
            pltpu.VMEM((16,), jnp.int32),
        ],
    )
    def nms(f_hbm, out_hbm, fv, bmax, acc, outb, tmpf, tmpi):
        img = lax.axis_index("s") * 2 + lax.axis_index("c")

        @pl.when(img < b)
        def _():
            pltpu.sync_copy(f_hbm.at[img], fv)
            iota = lax.iota(jnp.int32, 16)
            lane0 = iota == 0
            z16i = jnp.zeros((16,), jnp.int32)
            zv = jnp.zeros((16,), jnp.float32)
            for k in range(16):
                outb[pl.ds(k * 16, 16)] = zv
            bmax[pl.ds(32, 16)] = zv

            def rmax_splat(v):
                for sh in (8, 4, 2, 1):
                    tmpf[...] = v
                    v = jnp.maximum(
                        v, plsc.load_gather(tmpf, [jnp.bitwise_xor(iota, sh)]))
                return v

            def rmax_scal(v):
                return rmax_splat(v)[0]

            def rmin_splat_i(v):
                for sh in (8, 4, 2, 1):
                    tmpi[...] = v
                    v = jnp.minimum(
                        v, plsc.load_gather(tmpi, [jnp.bitwise_xor(iota, sh)]))
                return v

            def rmin_scal_i(v):
                return rmin_splat_i(v)[0]

            def blk_max8(base):
                v = fv[4, pl.ds(base, 16)]
                for j in range(1, 8):
                    v = jnp.maximum(v, fv[4, pl.ds(base + j * 16, 16)])
                return v

            def init_blk(blk, carry):
                mv = rmax_splat(blk_max8(blk * 128))
                plsc.store_scatter(
                    bmax, [jnp.full((16,), blk, jnp.int32)], mv, mask=lane0)
                return carry

            lax.fori_loop(0, NBLK, init_blk, 0)

            def top3():
                m0 = bmax[pl.ds(0, 16)]
                m1 = bmax[pl.ds(16, 16)]
                m2 = bmax[pl.ds(32, 16)]
                return m0, m1, m2

            def gmax_scal():
                m0, m1, m2 = top3()
                return rmax_scal(jnp.maximum(jnp.maximum(m0, m1), m2))

            BIGI = jnp.int32(100000)

            def cond(st):
                nacc, g = st
                return (nacc < MAXO) & (g > 0.0)

            def body(st):
                nacc, g = st
                gs = jnp.full((16,), g, jnp.float32)
                m0, m1, m2 = top3()
                i0 = plsc.all_reduce_ffs(m0 == gs)[0]
                i1 = plsc.all_reduce_ffs(m1 == gs)[0]
                i2 = plsc.all_reduce_ffs(m2 == gs)[0]
                blk = jnp.where(i0 < 16, i0,
                                jnp.where(i1 < 16, i1 + 16, i2 + 32))
                base = blk * 128
                off = jnp.int32(1 << 20)
                for j in range(8):
                    v = fv[4, pl.ds(base + j * 16, 16)]
                    fj = plsc.all_reduce_ffs(v == gs)[0]
                    off = jnp.where((off >= (1 << 20)) & (fj < 16),
                                    fj + j * 16, off)
                posv = jnp.full((16,), base + off, jnp.int32)

                def fld(r):
                    return plsc.load_gather(
                        fv, [jnp.full((16,), r, jnp.int32), posv])

                y1c = fld(0)
                x1c = fld(1)
                y2c = fld(2)
                x2c = fld(3)
                clc = fld(5)
                arc = fld(6)
                def iou_half(h):
                    ay1 = acc[0, pl.ds(h * 16, 16)]
                    ax1 = acc[1, pl.ds(h * 16, 16)]
                    ay2 = acc[2, pl.ds(h * 16, 16)]
                    ax2 = acc[3, pl.ds(h * 16, 16)]
                    aar = acc[4, pl.ds(h * 16, 16)]
                    yy1 = jnp.maximum(ay1, y1c)
                    xx1 = jnp.maximum(ax1, x1c)
                    yy2 = jnp.minimum(ay2, y2c)
                    xx2 = jnp.minimum(ax2, x2c)
                    inter = jnp.maximum(yy2 - yy1, 0.0) * jnp.maximum(xx2 - xx1, 0.0)
                    union = aar + arc - inter
                    iou = jnp.where(union > 0.0, inter / union, 0.0)
                    slot_ok = (iota + h * 16) < nacc
                    hit = jnp.logical_and(iou > IOU_T, slot_ok)
                    return plsc.all_reduce_population_count(hit)[0]

                nsup = iou_half(0) + lax.cond(
                    nacc > 16, lambda: iou_half(1), lambda: jnp.int32(0))
                accept_s = nsup == 0
                acceptv = jnp.full((16,), accept_s, jnp.bool_)
                amask = jnp.logical_and(lane0, acceptv)
                slotv = jnp.full((16,), nacc, jnp.int32)
                plsc.store_scatter(acc, [z16i, slotv], y1c, mask=amask)
                plsc.store_scatter(acc, [z16i + 1, slotv], x1c, mask=amask)
                plsc.store_scatter(acc, [z16i + 2, slotv], y2c, mask=amask)
                plsc.store_scatter(acc, [z16i + 3, slotv], x2c, mask=amask)
                plsc.store_scatter(acc, [z16i + 4, slotv], arc, mask=amask)
                rv = y1c
                rv = jnp.where(iota == 1, x1c, rv)
                rv = jnp.where(iota == 2, y2c, rv)
                rv = jnp.where(iota == 3, x2c, rv)
                rv = jnp.where(iota == 4, gs, rv)
                rv = jnp.where(iota == 5, clc, rv)
                plsc.store_scatter(
                    outb, [slotv * 8 + iota], rv,
                    mask=jnp.logical_and(iota < 6, acceptv))
                plsc.store_scatter(fv, [z16i + 4, posv], zv, mask=lane0)
                nm = rmax_splat(blk_max8(base))
                plsc.store_scatter(
                    bmax, [jnp.full((16,), blk, jnp.int32)], nm, mask=lane0)
                nacc2 = nacc + jnp.where(accept_s, 1, 0)
                return (nacc2, gmax_scal())

            lax.while_loop(cond, body, (jnp.int32(0), gmax_scal()))
            pltpu.sync_copy(outb, out_hbm.at[img])

    return nms


def kernel(preds):
    b, n, c = preds.shape
    f = pl.pallas_call(
        functools.partial(_stage1_body, n=n),
        grid=(b // 4,),
        in_specs=[pl.BlockSpec((4, n, c), lambda i: (i, 0, 0))],
        out_specs=pl.BlockSpec((4, 7, NPAD), lambda i: (i, 0, 0)),
        out_shape=jax.ShapeDtypeStruct((b, 7, NPAD), jnp.float32),
    )(preds)
    out = _make_nms(b)(f)
    return out.reshape(b, 32, 8)[:, :MAXO, :6]

# --- scband reference (transcript-rebuilt; emitter-appended) ---
"""Pipeline reference for scband-filter-13056700580349 (READ-ONLY COPY).

The authoritative reference and input builder live on the scoring server;
editing this copy changes nothing except your own understanding.
"""

import jax, jax.numpy as jnp
import numpy as np

MAX_OUT = 30
IOU_THRESH = 0.5
SCORE_THRESH = 0.3


def setup_inputs(seed: int = 0) -> dict:
    key = jax.random.key(seed)
    preds = jax.random.uniform(key, (16, 5000, 85), dtype=jnp.float32)
    return {"preds": preds}


def _nms_single(item):
    # item: [N, 6] = (y1, x1, y2, x2, score, class)
    boxes = item[:, :4]
    scores0 = item[:, 4]
    y1 = boxes[:, 0]
    x1 = boxes[:, 1]
    y2 = boxes[:, 2]
    x2 = boxes[:, 3]
    areas = jnp.maximum(y2 - y1, 0.0) * jnp.maximum(x2 - x1, 0.0)

    def step(s, _):
        i = jnp.argmax(s)
        valid = s[i] > 0.0
        row = jnp.where(valid, item[i], jnp.zeros((6,), dtype=item.dtype))
        yy1 = jnp.maximum(y1, y1[i])
        xx1 = jnp.maximum(x1, x1[i])
        yy2 = jnp.minimum(y2, y2[i])
        xx2 = jnp.minimum(x2, x2[i])
        inter = jnp.maximum(yy2 - yy1, 0.0) * jnp.maximum(xx2 - xx1, 0.0)
        union = areas + areas[i] - inter
        iou = jnp.where(union > 0.0, inter / union, 0.0)
        s_new = jnp.where(iou > IOU_THRESH, 0.0, s)
        s_new = s_new.at[i].set(0.0)
        s_new = jnp.where(valid, s_new, s)
        return s_new, row

    _, rows = jax.lax.scan(step, scores0, None, length=MAX_OUT)
    # rows are emitted in descending score order; suppressed/invalid slots are
    # all-zero rows at the bottom, matching the TF pad + top_k(sorted=True) step.
    return rows


def reference(preds):
    # preds: [B, N, 85] = 4 box coords + objectness + 80 class scores
    boxes_c_score = preds[..., 4:5] * preds[..., 5:]
    boxes_c = jnp.argmax(boxes_c_score, axis=-1).astype(jnp.float32)
    boxes_score = jnp.max(boxes_c_score, axis=-1)
    score_mask = (boxes_score >= SCORE_THRESH).astype(jnp.float32)
    boxes_score = score_mask * boxes_score
    preds_score_thresh = jnp.concatenate(
        [preds[..., :4], boxes_score[..., None], boxes_c[..., None]], axis=-1
    )
    dets = jax.vmap(_nms_single)(preds_score_thresh)
    return dets

if __name__ == "__main__":
    import jax
    _d = setup_inputs()
    print(jax.jit(kernel)(*tuple(_d.values())))

</pallas_src>

<mosaic_0001>
#map = affine_map<(d0, d1) -> (0, 0, 0)>
#map1 = affine_map<(d0, d1) -> (0, 0)>
module attributes {stable_mosaic.version = 14 : i64} {
  func.func @nms(%arg0: i32, %arg1: i32, %arg2: memref<16x7x5120xf32, #tpu.memory_space<hbm>>, %arg3: memref<16x256xf32, #tpu.memory_space<hbm>>, %arg4: memref<7x5120xf32, #tpu.memory_space<vmem>>, %arg5: memref<48xf32, #tpu.memory_space<vmem>>, %arg6: memref<5x32xf32, #tpu.memory_space<vmem>>, %arg7: memref<256xf32, #tpu.memory_space<vmem>>, %arg8: memref<16xf32, #tpu.memory_space<vmem>>, %arg9: memref<16xi32, #tpu.memory_space<vmem>>) attributes {dimension_semantics = [#tpu.dimension_semantics<core_parallel>, #tpu.dimension_semantics<subcore_parallel>], iteration_bounds = array<i64: 2, 16>, scalar_prefetch = 0 : i64, scratch_operands = 6 : i64, tpu.core_type = #tpu.core_type<sc_vector_subcore>, window_params = [{transform_indices = #map}, {transform_indices = #map1}]} {
    %mul3A = arith.constant 2 : i32
    %mul3A_0 = arith.muli %arg1, %mul3A : i32
    %add3A = arith.addi %mul3A_0, %arg0 : i32
    %lt3A = arith.constant 16 : i32
    %lt3A_1 = arith.cmpi slt, %add3A, %lt3A : i32
    %convert_element_type3A = arith.extui %lt3A_1 : i1 to i32
    %cond3A = arith.constant 0 : i32
    %cond3A_2 = arith.cmpi ne, %convert_element_type3A, %cond3A : i32
    scf.if %cond3A_2 {
      "tpu.region"() ({
        %run_scoped3A = tpu.sem_alloc : memref<!tpu.dma_semaphore, #tpu.memory_space<semaphore_mem>>
        %dma_start3A = arith.constant 0 : i32
        %dma_start3A_79 = arith.constant 0 : i32
        %dma_start3A_80 = tpu.memref_slice %arg2[%add3A, %dma_start3A, %dma_start3A_79] : memref<16x7x5120xf32, #tpu.memory_space<hbm>> -> memref<1x7x5120xf32, #tpu.memory_space<hbm>>
        %dma_start3A_81 = tpu.memref_squeeze %dma_start3A_80 : memref<1x7x5120xf32, #tpu.memory_space<hbm>> -> memref<7x5120xf32, #tpu.memory_space<hbm>>
        %dma_start3A_82 = arith.constant 0 : i32
        %dma_start3A_83 = arith.constant 0 : i32
        %dma_start3A_84 = tpu.memref_slice %arg2[%add3A, %dma_start3A_82, %dma_start3A_83] : memref<16x7x5120xf32, #tpu.memory_space<hbm>> -> memref<1x7x5120xf32, #tpu.memory_space<hbm>>
        %dma_start3A_85 = tpu.memref_squeeze %dma_start3A_84 : memref<1x7x5120xf32, #tpu.memory_space<hbm>> -> memref<7x5120xf32, #tpu.memory_space<hbm>>
        tpu.enqueue_dma source(%dma_start3A_85 : memref<7x5120xf32, #tpu.memory_space<hbm>>) target(%arg4 : memref<7x5120xf32, #tpu.memory_space<vmem>>) target_semaphore(%run_scoped3A : memref<!tpu.dma_semaphore, #tpu.memory_space<semaphore_mem>>)
        %dma_wait3A = arith.constant 0 : i32
        %dma_wait3A_86 = arith.constant 0 : i32
        %dma_wait3A_87 = tpu.memref_slice %arg2[%add3A, %dma_wait3A, %dma_wait3A_86] : memref<16x7x5120xf32, #tpu.memory_space<hbm>> -> memref<1x7x5120xf32, #tpu.memory_space<hbm>>
        %dma_wait3A_88 = tpu.memref_squeeze %dma_wait3A_87 : memref<1x7x5120xf32, #tpu.memory_space<hbm>> -> memref<7x5120xf32, #tpu.memory_space<hbm>>
        %dma_wait3A_89 = arith.constant 0 : i32
        %dma_wait3A_90 = arith.constant 0 : i32
        %dma_wait3A_91 = tpu.memref_slice %arg2[%add3A, %dma_wait3A_89, %dma_wait3A_90] : memref<16x7x5120xf32, #tpu.memory_space<hbm>> -> memref<1x7x5120xf32, #tpu.memory_space<hbm>>
        %dma_wait3A_92 = tpu.memref_squeeze %dma_wait3A_91 : memref<1x7x5120xf32, #tpu.memory_space<hbm>> -> memref<7x5120xf32, #tpu.memory_space<hbm>>
        tpu.wait_dma2 semaphore(%run_scoped3A : memref<!tpu.dma_semaphore, #tpu.memory_space<semaphore_mem>>) src(%dma_wait3A_92 : memref<7x5120xf32, #tpu.memory_space<hbm>>) dst(%arg4 : memref<7x5120xf32, #tpu.memory_space<vmem>>)
        tpu.yield
      }) : () -> ()
      %iota3A = tpu.iota {dimensions = array<i32: 0>} : vector<16xi32>
      %eq3A = arith.constant 0 : i32
      %eq3A_3 = vector.broadcast %eq3A : i32 to vector<16xi32>
      %eq3A_4 = arith.cmpi eq, %iota3A, %eq3A_3 : vector<16xi32>
      %broadcast_in_dim3A = arith.constant 0 : i32
      %broadcast_in_dim3A_5 = vector.broadcast %broadcast_in_dim3A : i32 to vector<16xi32>
      %broadcast_in_dim3A_6 = arith.constant 0.000000e+00 : f32
      %broadcast_in_dim3A_7 = vector.broadcast %broadcast_in_dim3A_6 : f32 to vector<16xf32>
      %swap3A = arith.constant 0 : index
      %swap3A_8 = tpu.vector_load %arg7[%swap3A] {strides = array<i32>} : memref<256xf32, #tpu.memory_space<vmem>>, vector<16xf32>,
      tpu.vector_store %arg7[%swap3A], %broadcast_in_dim3A_7 {strides = array<i32>} : memref<256xf32, #tpu.memory_space<vmem>>, vector<16xf32>,
      %swap3A_9 = arith.constant 16 : index
      %swap3A_10 = tpu.vector_load %arg7[%swap3A_9] {strides = array<i32>} : memref<256xf32, #tpu.memory_space<vmem>>, vector<16xf32>,
      tpu.vector_store %arg7[%swap3A_9], %broadcast_in_dim3A_7 {strides = array<i32>} : memref<256xf32, #tpu.memory_space<vmem>>, vector<16xf32>,
      %swap3A_11 = arith.constant 32 : index
      %swap3A_12 = tpu.vector_load %arg7[%swap3A_11] {strides = array<i32>} : memref<256xf32, #tpu.memory_space<vmem>>, vector<16xf32>,
      tpu.vector_store %arg7[%swap3A_11], %broadcast_in_dim3A_7 {strides = array<i32>} : memref<256xf32, #tpu.memory_space<vmem>>, vector<16xf32>,
      %swap3A_13 = arith.constant 48 : index
      %swap3A_14 = tpu.vector_load %arg7[%swap3A_13] {strides = array<i32>} : memref<256xf32, #tpu.memory_space<vmem>>, vector<16xf32>,
      tpu.vector_store %arg7[%swap3A_13], %broadcast_in_dim3A_7 {strides = array<i32>} : memref<256xf32, #tpu.memory_space<vmem>>, vector<16xf32>,
      %swap3A_15 = arith.constant 64 : index
      %swap3A_16 = tpu.vector_load %arg7[%swap3A_15] {strides = array<i32>} : memref<256xf32, #tpu.memory_space<vmem>>, vector<16xf32>,
      tpu.vector_store %arg7[%swap3A_15], %broadcast_in_dim3A_7 {strides = array<i32>} : memref<256xf32, #tpu.memory_space<vmem>>, vector<16xf32>,
      %swap3A_17 = arith.constant 80 : index
      %swap3A_18 = tpu.vector_load %arg7[%swap3A_17] {strides = array<i32>} : memref<256xf32, #tpu.memory_space<vmem>>, vector<16xf32>,
      tpu.vector_store %arg7[%swap3A_17], %broadcast_in_dim3A_7 {strides = array<i32>} : memref<256xf32, #tpu.memory_space<vmem>>, vector<16xf32>,
      %swap3A_19 = arith.constant 96 : index
      %swap3A_20 = tpu.vector_load %arg7[%swap3A_19] {strides = array<i32>} : memref<256xf32, #tpu.memory_space<vmem>>, vector<16xf32>,
      tpu.vector_store %arg7[%swap3A_19], %broadcast_in_dim3A_7 {strides = array<i32>} : memref<256xf32, #tpu.memory_space<vmem>>, vector<16xf32>,
      %swap3A_21 = arith.constant 112 : index
      %swap3A_22 = tpu.vector_load %arg7[%swap3A_21] {strides = array<i32>} : memref<256xf32, #tpu.memory_space<vmem>>, vector<16xf32>,
      tpu.vector_store %arg7[%swap3A_21], %broadcast_in_dim3A_7 {strides = array<i32>} : memref<256xf32, #tpu.memory_space<vmem>>, vector<16xf32>,
      %swap3A_23 = arith.constant 128 : index
      %swap3A_24 = tpu.vector_load %arg7[%swap3A_23] {strides = array<i32>} : memref<256xf32, #tpu.memory_space<vmem>>, vector<16xf32>,
      tpu.vector_store %arg7[%swap3A_23], %broadcast_in_dim3A_7 {strides = array<i32>} : memref<256xf32, #tpu.memory_space<vmem>>, vector<16xf32>,
      %swap3A_25 = arith.constant 144 : index
      %swap3A_26 = tpu.vector_load %arg7[%swap3A_25] {strides = array<i32>} : memref<256xf32, #tpu.memory_space<vmem>>, vector<16xf32>,
      tpu.vector_store %arg7[%swap3A_25], %broadcast_in_dim3A_7 {strides = array<i32>} : memref<256xf32, #tpu.memory_space<vmem>>, vector<16xf32>,
      %swap3A_27 = arith.constant 160 : index
      %swap3A_28 = tpu.vector_load %arg7[%swap3A_27] {strides = array<i32>} : memref<256xf32, #tpu.memory_space<vmem>>, vector<16xf32>,
      tpu.vector_store %arg7[%swap3A_27], %broadcast_in_dim3A_7 {strides = array<i32>} : memref<256xf32, #tpu.memory_space<vmem>>, vector<16xf32>,
      %swap3A_29 = arith.constant 176 : index
      %swap3A_30 = tpu.vector_load %arg7[%swap3A_29] {strides = array<i32>} : memref<256xf32, #tpu.memory_space<vmem>>, vector<16xf32>,
      tpu.vector_store %arg7[%swap3A_29], %broadcast_in_dim3A_7 {strides = array<i32>} : memref<256xf32, #tpu.memory_space<vmem>>, vector<16xf32>,
      %swap3A_31 = arith.constant 192 : index
      %swap3A_32 = tpu.vector_load %arg7[%swap3A_31] {strides = array<i32>} : memref<256xf32, #tpu.memory_space<vmem>>, vector<16xf32>,
      tpu.vector_store %arg7[%swap3A_31], %broadcast_in_dim3A_7 {strides = array<i32>} : memref<256xf32, #tpu.memory_space<vmem>>, vector<16xf32>,
      %swap3A_33 = arith.constant 208 : index
      %swap3A_34 = tpu.vector_load %arg7[%swap3A_33] {strides = array<i32>} : memref<256xf32, #tpu.memory_space<vmem>>, vector<16xf32>,
      tpu.vector_store %arg7[%swap3A_33], %broadcast_in_dim3A_7 {strides = array<i32>} : memref<256xf32, #tpu.memory_space<vmem>>, vector<16xf32>,
      %swap3A_35 = arith.constant 224 : index
      %swap3A_36 = tpu.vector_load %arg7[%swap3A_35] {strides = array<i32>} : memref<256xf32, #tpu.memory_space<vmem>>, vector<16xf32>,
      tpu.vector_store %arg7[%swap3A_35], %broadcast_in_dim3A_7 {strides = array<i32>} : memref<256xf32, #tpu.memory_space<vmem>>, vector<16xf32>,
      %swap3A_37 = arith.constant 240 : index
      %swap3A_38 = tpu.vector_load %arg7[%swap3A_37] {strides = array<i32>} : memref<256xf32, #tpu.memory_space<vmem>>, vector<16xf32>,
      tpu.vector_store %arg7[%swap3A_37], %broadcast_in_dim3A_7 {strides = array<i32>} : memref<256xf32, #tpu.memory_space<vmem>>, vector<16xf32>,
      %swap3A_39 = arith.constant 32 : index
      %swap3A_40 = tpu.vector_load %arg5[%swap3A_39] {strides = array<i32>} : memref<48xf32, #tpu.memory_space<vmem>>, vector<16xf32>,
      tpu.vector_store %arg5[%swap3A_39], %broadcast_in_dim3A_7 {strides = array<i32>} : memref<48xf32, #tpu.memory_space<vmem>>, vector<16xf32>,
      %scan3A = arith.constant 0 : i32
      %scan3A_41 = arith.constant 0 : i32
      %scan3A_42 = arith.constant 40 : i32
      %scan3A_43 = arith.addi %scan3A_41, %scan3A_42 : i32
      %scan3A_44 = arith.constant 1 : i32
      scf.for %scan3A_79 = %scan3A_41 to %scan3A_43 step %scan3A_44  : i32 {
        %mul3A_80 = arith.constant 128 : i32
        %mul3A_81 = arith.muli %scan3A_79, %mul3A_80 : i32
        %get3A_82 = arith.constant 4 : i32
        %get3A_83 = arith.index_cast %get3A_82 : i32 to index
        %get3A_84 = arith.index_cast %mul3A_81 : i32 to index
        %get3A_85 = tpu.vector_load %arg4[%get3A_83, %get3A_84] {strides = array<i32>} : memref<7x5120xf32, #tpu.memory_space<vmem>>, vector<16xf32>,
        %add3A_86 = arith.constant 16 : i32
        %add3A_87 = arith.addi %mul3A_81, %add3A_86 : i32
        %get3A_88 = arith.constant 4 : i32
        %get3A_89 = arith.index_cast %get3A_88 : i32 to index
        %get3A_90 = arith.index_cast %add3A_87 : i32 to index
        %get3A_91 = tpu.vector_load %arg4[%get3A_89, %get3A_90] {strides = array<i32>} : memref<7x5120xf32, #tpu.memory_space<vmem>>, vector<16xf32>,
        %max3A_92 = arith.maximumf %get3A_85, %get3A_91 : vector<16xf32>
        %add3A_93 = arith.constant 32 : i32
        %add3A_94 = arith.addi %mul3A_81, %add3A_93 : i32
        %get3A_95 = arith.constant 4 : i32
        %get3A_96 = arith.index_cast %get3A_95 : i32 to index
        %get3A_97 = arith.index_cast %add3A_94 : i32 to index
        %get3A_98 = tpu.vector_load %arg4[%get3A_96, %get3A_97] {strides = array<i32>} : memref<7x5120xf32, #tpu.memory_space<vmem>>, vector<16xf32>,
        %max3A_99 = arith.maximumf %max3A_92, %get3A_98 : vector<16xf32>
        %add3A_100 = arith.constant 48 : i32
        %add3A_101 = arith.addi %mul3A_81, %add3A_100 : i32
        %get3A_102 = arith.constant 4 : i32
        %get3A_103 = arith.index_cast %get3A_102 : i32 to index
        %get3A_104 = arith.index_cast %add3A_101 : i32 to index
        %get3A_105 = tpu.vector_load %arg4[%get3A_103, %get3A_104] {strides = array<i32>} : memref<7x5120xf32, #tpu.memory_space<vmem>>, vector<16xf32>,
        %max3A_106 = arith.maximumf %max3A_99, %get3A_105 : vector<16xf32>
        %add3A_107 = arith.constant 64 : i32
        %add3A_108 = arith.addi %mul3A_81, %add3A_107 : i32
        %get3A_109 = arith.constant 4 : i32
        %get3A_110 = arith.index_cast %get3A_109 : i32 to index
        %get3A_111 = arith.index_cast %add3A_108 : i32 to index
        %get3A_112 = tpu.vector_load %arg4[%get3A_110, %get3A_111] {strides = array<i32>} : memref<7x5120xf32, #tpu.memory_space<vmem>>, vector<16xf32>,
        %max3A_113 = arith.maximumf %max3A_106, %get3A_112 : vector<16xf32>
        %add3A_114 = arith.constant 80 : i32
        %add3A_115 = arith.addi %mul3A_81, %add3A_114 : i32
        %get3A_116 = arith.constant 4 : i32
        %get3A_117 = arith.index_cast %get3A_116 : i32 to index
        %get3A_118 = arith.index_cast %add3A_115 : i32 to index
        %get3A_119 = tpu.vector_load %arg4[%get3A_117, %get3A_118] {strides = array<i32>} : memref<7x5120xf32, #tpu.memory_space<vmem>>, vector<16xf32>,
        %max3A_120 = arith.maximumf %max3A_113, %get3A_119 : vector<16xf32>
        %add3A_121 = arith.constant 96 : i32
        %add3A_122 = arith.addi %mul3A_81, %add3A_121 : i32
        %get3A_123 = arith.constant 4 : i32
        %get3A_124 = arith.index_cast %get3A_123 : i32 to index
        %get3A_125 = arith.index_cast %add3A_122 : i32 to index
        %get3A_126 = tpu.vector_load %arg4[%get3A_124, %get3A_125] {strides = array<i32>} : memref<7x5120xf32, #tpu.memory_space<vmem>>, vector<16xf32>,
        %max3A_127 = arith.maximumf %max3A_120, %get3A_126 : vector<16xf32>
        %add3A_128 = arith.constant 112 : i32
        %add3A_129 = arith.addi %mul3A_81, %add3A_128 : i32
        %get3A_130 = arith.constant 4 : i32
        %get3A_131 = arith.index_cast %get3A_130 : i32 to index
        %get3A_132 = arith.index_cast %add3A_129 : i32 to index
        %get3A_133 = tpu.vector_load %arg4[%get3A_131, %get3A_132] {strides = array<i32>} : memref<7x5120xf32, #tpu.memory_space<vmem>>, vector<16xf32>,
        %max3A_134 = arith.maximumf %max3A_127, %get3A_133 : vector<16xf32>
        %swap3A_135 = arith.constant 0 : index
        %swap3A_136 = tpu.vector_load %arg8[%swap3A_135] {strides = array<i32>} : memref<16xf32, #tpu.memory_space<vmem>>, vector<16xf32>,
        tpu.vector_store %arg8[%swap3A_135], %max3A_134 {strides = array<i32>} : memref<16xf32, #tpu.memory_space<vmem>>, vector<16xf32>,
        %xor3A_137 = arith.constant 8 : i32
        %xor3A_138 = vector.broadcast %xor3A_137 : i32 to vector<16xi32>
        %xor3A_139 = arith.xori %iota3A, %xor3A_138 : vector<16xi32>
        %gather3A_140 = tpu.vector_load_idx %arg8[%xor3A_139] : memref<16xf32, #tpu.memory_space<vmem>>[vector<16xi32>], vector<16xf32>,
        %max3A_141 = arith.maximumf %max3A_134, %gather3A_140 : vector<16xf32>
        %swap3A_142 = arith.constant 0 : index
        %swap3A_143 = tpu.vector_load %arg8[%swap3A_142] {strides = array<i32>} : memref<16xf32, #tpu.memory_space<vmem>>, vector<16xf32>,
        tpu.vector_store %arg8[%swap3A_142], %max3A_141 {strides = array<i32>} : memref<16xf32, #tpu.memory_space<vmem>>, vector<16xf32>,
        %xor3A_144 = arith.constant 4 : i32
        %xor3A_145 = vector.broadcast %xor3A_144 : i32 to vector<16xi32>
        %xor3A_146 = arith.xori %iota3A, %xor3A_145 : vector<16xi32>
        %gather3A_147 = tpu.vector_load_idx %arg8[%xor3A_146] : memref<16xf32, #tpu.memory_space<vmem>>[vector<16xi32>], vector<16xf32>,
        %max3A_148 = arith.maximumf %max3A_141, %gather3A_147 : vector<16xf32>
        %swap3A_149 = arith.constant 0 : index
        %swap3A_150 = tpu.vector_load %arg8[%swap3A_149] {strides = array<i32>} : memref<16xf32, #tpu.memory_space<vmem>>, vector<16xf32>,
        tpu.vector_store %arg8[%swap3A_149], %max3A_148 {strides = array<i32>} : memref<16xf32, #tpu.memory_space<vmem>>, vector<16xf32>,
        %xor3A_151 = arith.constant 2 : i32
        %xor3A_152 = vector.broadcast %xor3A_151 : i32 to vector<16xi32>
        %xor3A_153 = arith.xori %iota3A, %xor3A_152 : vector<16xi32>
        %gather3A_154 = tpu.vector_load_idx %arg8[%xor3A_153] : memref<16xf32, #tpu.memory_space<vmem>>[vector<16xi32>], vector<16xf32>,
        %max3A_155 = arith.maximumf %max3A_148, %gather3A_154 : vector<16xf32>
        %swap3A_156 = arith.constant 0 : index
        %swap3A_157 = tpu.vector_load %arg8[%swap3A_156] {strides = array<i32>} : memref<16xf32, #tpu.memory_space<vmem>>, vector<16xf32>,
        tpu.vector_store %arg8[%swap3A_156], %max3A_155 {strides = array<i32>} : memref<16xf32, #tpu.memory_space<vmem>>, vector<16xf32>,
        %xor3A_158 = arith.constant 1 : i32
        %xor3A_159 = vector.broadcast %xor3A_158 : i32 to vector<16xi32>
        %xor3A_160 = arith.xori %iota3A, %xor3A_159 : vector<16xi32>
        %gather3A_161 = tpu.vector_load_idx %arg8[%xor3A_160] : memref<16xf32, #tpu.memory_space<vmem>>[vector<16xi32>], vector<16xf32>,
        %max3A_162 = arith.maximumf %max3A_155, %gather3A_161 : vector<16xf32>
        %broadcast_in_dim3A_163 = vector.broadcast %scan3A_79 : i32 to vector<16xi32>
        tpu.vector_store_idx %arg5[%broadcast_in_dim3A_163], %max3A_162 masked %eq3A_4 : memref<48xf32, #tpu.memory_space<vmem>>[vector<16xi32>], vector<16xf32>, vector<16xi1>
      }
      %scan3A_45 = arith.constant 40 : i32
      %get3A = arith.constant 0 : index
      %get3A_46 = tpu.vector_load %arg5[%get3A] {strides = array<i32>} : memref<48xf32, #tpu.memory_space<vmem>>, vector<16xf32>,
      %get3A_47 = arith.constant 16 : index
      %get3A_48 = tpu.vector_load %arg5[%get3A_47] {strides = array<i32>} : memref<48xf32, #tpu.memory_space<vmem>>, vector<16xf32>,
      %get3A_49 = arith.constant 32 : index
      %get3A_50 = tpu.vector_load %arg5[%get3A_49] {strides = array<i32>} : memref<48xf32, #tpu.memory_space<vmem>>, vector<16xf32>,
      %max3A = arith.maximumf %get3A_46, %get3A_48 : vector<16xf32>
      %max3A_51 = arith.maximumf %max3A, %get3A_50 : vector<16xf32>
      %swap3A_52 = arith.constant 0 : index
      %swap3A_53 = tpu.vector_load %arg8[%swap3A_52] {strides = array<i32>} : memref<16xf32, #tpu.memory_space<vmem>>, vector<16xf32>,
      tpu.vector_store %arg8[%swap3A_52], %max3A_51 {strides = array<i32>} : memref<16xf32, #tpu.memory_space<vmem>>, vector<16xf32>,
      %xor3A = arith.constant 8 : i32
      %xor3A_54 = vector.broadcast %xor3A : i32 to vector<16xi32>
      %xor3A_55 = arith.xori %iota3A, %xor3A_54 : vector<16xi32>
      %gather3A = tpu.vector_load_idx %arg8[%xor3A_55] : memref<16xf32, #tpu.memory_space<vmem>>[vector<16xi32>], vector<16xf32>,
      %max3A_56 = arith.maximumf %max3A_51, %gather3A : vector<16xf32>
      %swap3A_57 = arith.constant 0 : index
      %swap3A_58 = tpu.vector_load %arg8[%swap3A_57] {strides = array<i32>} : memref<16xf32, #tpu.memory_space<vmem>>, vector<16xf32>,
      tpu.vector_store %arg8[%swap3A_57], %max3A_56 {strides = array<i32>} : memref<16xf32, #tpu.memory_space<vmem>>, vector<16xf32>,
      %xor3A_59 = arith.constant 4 : i32
      %xor3A_60 = vector.broadcast %xor3A_59 : i32 to vector<16xi32>
      %xor3A_61 = arith.xori %iota3A, %xor3A_60 : vector<16xi32>
      %gather3A_62 = tpu.vector_load_idx %arg8[%xor3A_61] : memref<16xf32, #tpu.memory_space<vmem>>[vector<16xi32>], vector<16xf32>,
      %max3A_63 = arith.maximumf %max3A_56, %gather3A_62 : vector<16xf32>
      %swap3A_64 = arith.constant 0 : index
      %swap3A_65 = tpu.vector_load %arg8[%swap3A_64] {strides = array<i32>} : memref<16xf32, #tpu.memory_space<vmem>>, vector<16xf32>,
      tpu.vector_store %arg8[%swap3A_64], %max3A_63 {strides = array<i32>} : memref<16xf32, #tpu.memory_space<vmem>>, vector<16xf32>,
      %xor3A_66 = arith.constant 2 : i32
      %xor3A_67 = vector.broadcast %xor3A_66 : i32 to vector<16xi32>
      %xor3A_68 = arith.xori %iota3A, %xor3A_67 : vector<16xi32>
      %gather3A_69 = tpu.vector_load_idx %arg8[%xor3A_68] : memref<16xf32, #tpu.memory_space<vmem>>[vector<16xi32>], vector<16xf32>,
      %max3A_70 = arith.maximumf %max3A_63, %gather3A_69 : vector<16xf32>
      %swap3A_71 = arith.constant 0 : index
      %swap3A_72 = tpu.vector_load %arg8[%swap3A_71] {strides = array<i32>} : memref<16xf32, #tpu.memory_space<vmem>>, vector<16xf32>,
      tpu.vector_store %arg8[%swap3A_71], %max3A_70 {strides = array<i32>} : memref<16xf32, #tpu.memory_space<vmem>>, vector<16xf32>,
      %xor3A_73 = arith.constant 1 : i32
      %xor3A_74 = vector.broadcast %xor3A_73 : i32 to vector<16xi32>
      %xor3A_75 = arith.xori %iota3A, %xor3A_74 : vector<16xi32>
      %gather3A_76 = tpu.vector_load_idx %arg8[%xor3A_75] : memref<16xf32, #tpu.memory_space<vmem>>[vector<16xi32>], vector<16xf32>,
      %max3A_77 = arith.maximumf %max3A_70, %gather3A_76 : vector<16xf32>
      %slice3A = vector.extract_strided_slice %max3A_77 {offsets = [0], sizes = [1], strides = [1]} : vector<16xf32> to vector<1xf32>
      %squeeze3A = vector.extract %slice3A[0] : f32 from vector<1xf32>
      %while3A = arith.constant 0 : i32
      %while3A_78:2 = scf.while (%while3A_79 = %while3A, %while3A_80 = %squeeze3A) : (i32, f32) -> (i32, f32) {
        %lt3A_81 = arith.constant 30 : i32
        %lt3A_82 = arith.cmpi slt, %while3A_79, %lt3A_81 : i32
        %gt3A = arith.constant 0.000000e+00 : f32
        %gt3A_83 = arith.cmpf ogt, %while3A_80, %gt3A : f32
        %and3A = arith.andi %lt3A_82, %gt3A_83 : i1
        scf.condition(%and3A) %while3A_79, %while3A_80 : i32, f32
      } do {
      ^bb0(%while3A_79: i32, %while3A_80: f32):
        %broadcast_in_dim3A_81 = vector.broadcast %while3A_80 : f32 to vector<16xf32>
        %get3A_82 = arith.constant 0 : index
        %get3A_83 = tpu.vector_load %arg5[%get3A_82] {strides = array<i32>} : memref<48xf32, #tpu.memory_space<vmem>>, vector<16xf32>,
        %get3A_84 = arith.constant 16 : index
        %get3A_85 = tpu.vector_load %arg5[%get3A_84] {strides = array<i32>} : memref<48xf32, #tpu.memory_space<vmem>>, vector<16xf32>,
        %get3A_86 = arith.constant 32 : index
        %get3A_87 = tpu.vector_load %arg5[%get3A_86] {strides = array<i32>} : memref<48xf32, #tpu.memory_space<vmem>>, vector<16xf32>,
        %eq3A_88 = arith.cmpf oeq, %get3A_83, %broadcast_in_dim3A_81 : vector<16xf32>
        %all_reduce_ffs3A = tpu.all_reduce %eq3A_88 {dim = 0 : i64, kind = #tpu.reduction_kind<find_first_set>} : vector<16xi1> -> vector<16xi32>
        %slice3A_89 = vector.extract_strided_slice %all_reduce_ffs3A {offsets = [0], sizes = [1], strides = [1]} : vector<16xi32> to vector<1xi32>
        %squeeze3A_90 = vector.extract %slice3A_89[0] : i32 from vector<1xi32>
        %eq3A_91 = arith.cmpf oeq, %get3A_85, %broadcast_in_dim3A_81 : vector<16xf32>
        %all_reduce_ffs3A_92 = tpu.all_reduce %eq3A_91 {dim = 0 : i64, kind = #tpu.reduction_kind<find_first_set>} : vector<16xi1> -> vector<16xi32>
        %slice3A_93 = vector.extract_strided_slice %all_reduce_ffs3A_92 {offsets = [0], sizes = [1], strides = [1]} : vector<16xi32> to vector<1xi32>
        %squeeze3A_94 = vector.extract %slice3A_93[0] : i32 from vector<1xi32>
        %eq3A_95 = arith.cmpf oeq, %get3A_87, %broadcast_in_dim3A_81 : vector<16xf32>
        %all_reduce_ffs3A_96 = tpu.all_reduce %eq3A_95 {dim = 0 : i64, kind = #tpu.reduction_kind<find_first_set>} : vector<16xi1> -> vector<16xi32>
        %slice3A_97 = vector.extract_strided_slice %all_reduce_ffs3A_96 {offsets = [0], sizes = [1], strides = [1]} : vector<16xi32> to vector<1xi32>
        %squeeze3A_98 = vector.extract %slice3A_97[0] : i32 from vector<1xi32>
        %lt3A_99 = arith.constant 16 : i32
        %lt3A_100 = arith.cmpi slt, %squeeze3A_90, %lt3A_99 : i32
        %lt3A_101 = arith.constant 16 : i32
        %lt3A_102 = arith.cmpi slt, %squeeze3A_94, %lt3A_101 : i32
        %add3A_103 = arith.constant 16 : i32
        %add3A_104 = arith.addi %squeeze3A_94, %add3A_103 : i32
        %add3A_105 = arith.constant 32 : i32
        %add3A_106 = arith.addi %squeeze3A_98, %add3A_105 : i32
        %select_n3A = arith.select %lt3A_102, %add3A_104, %add3A_106 : i32
        %select_n3A_107 = arith.select %lt3A_100, %squeeze3A_90, %select_n3A : i32
        %mul3A_108 = arith.constant 128 : i32
        %mul3A_109 = arith.muli %select_n3A_107, %mul3A_108 : i32
        %add3A_110 = arith.constant 0 : i32
        %add3A_111 = arith.addi %mul3A_109, %add3A_110 : i32
        %get3A_112 = arith.constant 4 : i32
        %get3A_113 = arith.index_cast %get3A_112 : i32 to index
        %get3A_114 = arith.index_cast %add3A_111 : i32 to index
        %get3A_115 = tpu.vector_load %arg4[%get3A_113, %get3A_114] {strides = array<i32>} : memref<7x5120xf32, #tpu.memory_space<vmem>>, vector<16xf32>,
        %eq3A_116 = arith.cmpf oeq, %get3A_115, %broadcast_in_dim3A_81 : vector<16xf32>
        %all_reduce_ffs3A_117 = tpu.all_reduce %eq3A_116 {dim = 0 : i64, kind = #tpu.reduction_kind<find_first_set>} : vector<16xi1> -> vector<16xi32>
        %slice3A_118 = vector.extract_strided_slice %all_reduce_ffs3A_117 {offsets = [0], sizes = [1], strides = [1]} : vector<16xi32> to vector<1xi32>
        %squeeze3A_119 = vector.extract %slice3A_118[0] : i32 from vector<1xi32>
        %ge3A = arith.constant 1048576 : i32
        %ge3A_120 = arith.constant 1048576 : i32
        %ge3A_121 = arith.cmpi sge, %ge3A, %ge3A_120 : i32
        %lt3A_122 = arith.constant 16 : i32
        %lt3A_123 = arith.cmpi slt, %squeeze3A_119, %lt3A_122 : i32
        %and3A = arith.andi %ge3A_121, %lt3A_123 : i1
        %add3A_124 = arith.constant 0 : i32
        %add3A_125 = arith.addi %squeeze3A_119, %add3A_124 : i32
        %jit3A = arith.constant 1048576 : i32
        %select_n3A_126 = arith.select %and3A, %add3A_125, %jit3A : i32
        %add3A_127 = arith.constant 16 : i32
        %add3A_128 = arith.addi %mul3A_109, %add3A_127 : i32
        %get3A_129 = arith.constant 4 : i32
        %get3A_130 = arith.index_cast %get3A_129 : i32 to index
        %get3A_131 = arith.index_cast %add3A_128 : i32 to index
        %get3A_132 = tpu.vector_load %arg4[%get3A_130, %get3A_131] {strides = array<i32>} : memref<7x5120xf32, #tpu.memory_space<vmem>>, vector<16xf32>,
        %eq3A_133 = arith.cmpf oeq, %get3A_132, %broadcast_in_dim3A_81 : vector<16xf32>
        %all_reduce_ffs3A_134 = tpu.all_reduce %eq3A_133 {dim = 0 : i64, kind = #tpu.reduction_kind<find_first_set>} : vector<16xi1> -> vector<16xi32>
        %slice3A_135 = vector.extract_strided_slice %all_reduce_ffs3A_134 {offsets = [0], sizes = [1], strides = [1]} : vector<16xi32> to vector<1xi32>
        %squeeze3A_136 = vector.extract %slice3A_135[0] : i32 from vector<1xi32>
        %ge3A_137 = arith.constant 1048576 : i32
        %ge3A_138 = arith.cmpi sge, %select_n3A_126, %ge3A_137 : i32
        %lt3A_139 = arith.constant 16 : i32
        %lt3A_140 = arith.cmpi slt, %squeeze3A_136, %lt3A_139 : i32
        %and3A_141 = arith.andi %ge3A_138, %lt3A_140 : i1
        %add3A_142 = arith.constant 16 : i32
        %add3A_143 = arith.addi %squeeze3A_136, %add3A_142 : i32
        %select_n3A_144 = arith.select %and3A_141, %add3A_143, %select_n3A_126 : i32
        %add3A_145 = arith.constant 32 : i32
        %add3A_146 = arith.addi %mul3A_109, %add3A_145 : i32
        %get3A_147 = arith.constant 4 : i32
        %get3A_148 = arith.index_cast %get3A_147 : i32 to index
        %get3A_149 = arith.index_cast %add3A_146 : i32 to index
        %get3A_150 = tpu.vector_load %arg4[%get3A_148, %get3A_149] {strides = array<i32>} : memref<7x5120xf32, #tpu.memory_space<vmem>>, vector<16xf32>,
        %eq3A_151 = arith.cmpf oeq, %get3A_150, %broadcast_in_dim3A_81 : vector<16xf32>
        %all_reduce_ffs3A_152 = tpu.all_reduce %eq3A_151 {dim = 0 : i64, kind = #tpu.reduction_kind<find_first_set>} : vector<16xi1> -> vector<16xi32>
        %slice3A_153 = vector.extract_strided_slice %all_reduce_ffs3A_152 {offsets = [0], sizes = [1], strides = [1]} : vector<16xi32> to vector<1xi32>
        %squeeze3A_154 = vector.extract %slice3A_153[0] : i32 from vector<1xi32>
        %ge3A_155 = arith.constant 1048576 : i32
        %ge3A_156 = arith.cmpi sge, %select_n3A_144, %ge3A_155 : i32
        %lt3A_157 = arith.constant 16 : i32
        %lt3A_158 = arith.cmpi slt, %squeeze3A_154, %lt3A_157 : i32
        %and3A_159 = arith.andi %ge3A_156, %lt3A_158 : i1
        %add3A_160 = arith.constant 32 : i32
        %add3A_161 = arith.addi %squeeze3A_154, %add3A_160 : i32
        %select_n3A_162 = arith.select %and3A_159, %add3A_161, %select_n3A_144 : i32
        %add3A_163 = arith.constant 48 : i32
        %add3A_164 = arith.addi %mul3A_109, %add3A_163 : i32
        %get3A_165 = arith.constant 4 : i32
        %get3A_166 = arith.index_cast %get3A_165 : i32 to index
        %get3A_167 = arith.index_cast %add3A_164 : i32 to index
        %get3A_168 = tpu.vector_load %arg4[%get3A_166, %get3A_167] {strides = array<i32>} : memref<7x5120xf32, #tpu.memory_space<vmem>>, vector<16xf32>,
        %eq3A_169 = arith.cmpf oeq, %get3A_168, %broadcast_in_dim3A_81 : vector<16xf32>
        %all_reduce_ffs3A_170 = tpu.all_reduce %eq3A_169 {dim = 0 : i64, kind = #tpu.reduction_kind<find_first_set>} : vector<16xi1> -> vector<16xi32>
        %slice3A_171 = vector.extract_strided_slice %all_reduce_ffs3A_170 {offsets = [0], sizes = [1], strides = [1]} : vector<16xi32> to vector<1xi32>
        %squeeze3A_172 = vector.extract %slice3A_171[0] : i32 from vector<1xi32>
        %ge3A_173 = arith.constant 1048576 : i32
        %ge3A_174 = arith.cmpi sge, %select_n3A_162, %ge3A_173 : i32
        %lt3A_175 = arith.constant 16 : i32
        %lt3A_176 = arith.cmpi slt, %squeeze3A_172, %lt3A_175 : i32
        %and3A_177 = arith.andi %ge3A_174, %lt3A_176 : i1
        %add3A_178 = arith.constant 48 : i32
        %add3A_179 = arith.addi %squeeze3A_172, %add3A_178 : i32
        %select_n3A_180 = arith.select %and3A_177, %add3A_179, %select_n3A_162 : i32
        %add3A_181 = arith.constant 64 : i32
        %add3A_182 = arith.addi %mul3A_109, %add3A_181 : i32
        %get3A_183 = arith.constant 4 : i32
        %get3A_184 = arith.index_cast %get3A_183 : i32 to index
        %get3A_185 = arith.index_cast %add3A_182 : i32 to index
        %get3A_186 = tpu.vector_load %arg4[%get3A_184, %get3A_185] {strides = array<i32>} : memref<7x5120xf32, #tpu.memory_space<vmem>>, vector<16xf32>,
        %eq3A_187 = arith.cmpf oeq, %get3A_186, %broadcast_in_dim3A_81 : vector<16xf32>
        %all_reduce_ffs3A_188 = tpu.all_reduce %eq3A_187 {dim = 0 : i64, kind = #tpu.reduction_kind<find_first_set>} : vector<16xi1> -> vector<16xi32>
        %slice3A_189 = vector.extract_strided_slice %all_reduce_ffs3A_188 {offsets = [0], sizes = [1], strides = [1]} : vector<16xi32> to vector<1xi32>
        %squeeze3A_190 = vector.extract %slice3A_189[0] : i32 from vector<1xi32>
        %ge3A_191 = arith.constant 1048576 : i32
        %ge3A_192 = arith.cmpi sge, %select_n3A_180, %ge3A_191 : i32
        %lt3A_193 = arith.constant 16 : i32
        %lt3A_194 = arith.cmpi slt, %squeeze3A_190, %lt3A_193 : i32
        %and3A_195 = arith.andi %ge3A_192, %lt3A_194 : i1
        %add3A_196 = arith.constant 64 : i32
        %add3A_197 = arith.addi %squeeze3A_190, %add3A_196 : i32
        %select_n3A_198 = arith.select %and3A_195, %add3A_197, %select_n3A_180 : i32
        %add3A_199 = arith.constant 80 : i32
        %add3A_200 = arith.addi %mul3A_109, %add3A_199 : i32
        %get3A_201 = arith.constant 4 : i32
        %get3A_202 = arith.index_cast %get3A_201 : i32 to index
        %get3A_203 = arith.index_cast %add3A_200 : i32 to index
        %get3A_204 = tpu.vector_load %arg4[%get3A_202, %get3A_203] {strides = array<i32>} : memref<7x5120xf32, #tpu.memory_space<vmem>>, vector<16xf32>,
        %eq3A_205 = arith.cmpf oeq, %get3A_204, %broadcast_in_dim3A_81 : vector<16xf32>
        %all_reduce_ffs3A_206 = tpu.all_reduce %eq3A_205 {dim = 0 : i64, kind = #tpu.reduction_kind<find_first_set>} : vector<16xi1> -> vector<16xi32>
        %slice3A_207 = vector.extract_strided_slice %all_reduce_ffs3A_206 {offsets = [0], sizes = [1], strides = [1]} : vector<16xi32> to vector<1xi32>
        %squeeze3A_208 = vector.extract %slice3A_207[0] : i32 from vector<1xi32>
        %ge3A_209 = arith.constant 1048576 : i32
        %ge3A_210 = arith.cmpi sge, %select_n3A_198, %ge3A_209 : i32
        %lt3A_211 = arith.constant 16 : i32
        %lt3A_212 = arith.cmpi slt, %squeeze3A_208, %lt3A_211 : i32
        %and3A_213 = arith.andi %ge3A_210, %lt3A_212 : i1
        %add3A_214 = arith.constant 80 : i32
        %add3A_215 = arith.addi %squeeze3A_208, %add3A_214 : i32
        %select_n3A_216 = arith.select %and3A_213, %add3A_215, %select_n3A_198 : i32
        %add3A_217 = arith.constant 96 : i32
        %add3A_218 = arith.addi %mul3A_109, %add3A_217 : i32
        %get3A_219 = arith.constant 4 : i32
        %get3A_220 = arith.index_cast %get3A_219 : i32 to index
        %get3A_221 = arith.index_cast %add3A_218 : i32 to index
        %get3A_222 = tpu.vector_load %arg4[%get3A_220, %get3A_221] {strides = array<i32>} : memref<7x5120xf32, #tpu.memory_space<vmem>>, vector<16xf32>,
        %eq3A_223 = arith.cmpf oeq, %get3A_222, %broadcast_in_dim3A_81 : vector<16xf32>
        %all_reduce_ffs3A_224 = tpu.all_reduce %eq3A_223 {dim = 0 : i64, kind = #tpu.reduction_kind<find_first_set>} : vector<16xi1> -> vector<16xi32>
        %slice3A_225 = vector.extract_strided_slice %all_reduce_ffs3A_224 {offsets = [0], sizes = [1], strides = [1]} : vector<16xi32> to vector<1xi32>
        %squeeze3A_226 = vector.extract %slice3A_225[0] : i32 from vector<1xi32>
        %ge3A_227 = arith.constant 1048576 : i32
        %ge3A_228 = arith.cmpi sge, %select_n3A_216, %ge3A_227 : i32
        %lt3A_229 = arith.constant 16 : i32
        %lt3A_230 = arith.cmpi slt, %squeeze3A_226, %lt3A_229 : i32
        %and3A_231 = arith.andi %ge3A_228, %lt3A_230 : i1
        %add3A_232 = arith.constant 96 : i32
        %add3A_233 = arith.addi %squeeze3A_226, %add3A_232 : i32
        %select_n3A_234 = arith.select %and3A_231, %add3A_233, %select_n3A_216 : i32
        %add3A_235 = arith.constant 112 : i32
        %add3A_236 = arith.addi %mul3A_109, %add3A_235 : i32
        %get3A_237 = arith.constant 4 : i32
        %get3A_238 = arith.index_cast %get3A_237 : i32 to index
        %get3A_239 = arith.index_cast %add3A_236 : i32 to index
        %get3A_240 = tpu.vector_load %arg4[%get3A_238, %get3A_239] {strides = array<i32>} : memref<7x5120xf32, #tpu.memory_space<vmem>>, vector<16xf32>,
        %eq3A_241 = arith.cmpf oeq, %get3A_240, %broadcast_in_dim3A_81 : vector<16xf32>
        %all_reduce_ffs3A_242 = tpu.all_reduce %eq3A_241 {dim = 0 : i64, kind = #tpu.reduction_kind<find_first_set>} : vector<16xi1> -> vector<16xi32>
        %slice3A_243 = vector.extract_strided_slice %all_reduce_ffs3A_242 {offsets = [0], sizes = [1], strides = [1]} : vector<16xi32> to vector<1xi32>
        %squeeze3A_244 = vector.extract %slice3A_243[0] : i32 from vector<1xi32>
        %ge3A_245 = arith.constant 1048576 : i32
        %ge3A_246 = arith.cmpi sge, %select_n3A_234, %ge3A_245 : i32
        %lt3A_247 = arith.constant 16 : i32
        %lt3A_248 = arith.cmpi slt, %squeeze3A_244, %lt3A_247 : i32
        %and3A_249 = arith.andi %ge3A_246, %lt3A_248 : i1
        %add3A_250 = arith.constant 112 : i32
        %add3A_251 = arith.addi %squeeze3A_244, %add3A_250 : i32
        %select_n3A_252 = arith.select %and3A_249, %add3A_251, %select_n3A_234 : i32
        %add3A_253 = arith.addi %mul3A_109, %select_n3A_252 : i32
        %broadcast_in_dim3A_254 = vector.broadcast %add3A_253 : i32 to vector<16xi32>
        %broadcast_in_dim3A_255 = arith.constant 0 : i32
        %broadcast_in_dim3A_256 = vector.broadcast %broadcast_in_dim3A_255 : i32 to vector<16xi32>
        %gather3A_257 = tpu.vector_load_idx %arg4[%broadcast_in_dim3A_256, %broadcast_in_dim3A_254] : memref<7x5120xf32, #tpu.memory_space<vmem>>[vector<16xi32>, vector<16xi32>], vector<16xf32>,
        %broadcast_in_dim3A_258 = arith.constant 1 : i32
        %broadcast_in_dim3A_259 = vector.broadcast %broadcast_in_dim3A_258 : i32 to vector<16xi32>
        %gather3A_260 = tpu.vector_load_idx %arg4[%broadcast_in_dim3A_259, %broadcast_in_dim3A_254] : memref<7x5120xf32, #tpu.memory_space<vmem>>[vector<16xi32>, vector<16xi32>], vector<16xf32>,
        %broadcast_in_dim3A_261 = arith.constant 2 : i32
        %broadcast_in_dim3A_262 = vector.broadcast %broadcast_in_dim3A_261 : i32 to vector<16xi32>
        %gather3A_263 = tpu.vector_load_idx %arg4[%broadcast_in_dim3A_262, %broadcast_in_dim3A_254] : memref<7x5120xf32, #tpu.memory_space<vmem>>[vector<16xi32>, vector<16xi32>], vector<16xf32>,
        %broadcast_in_dim3A_264 = arith.constant 3 : i32
        %broadcast_in_dim3A_265 = vector.broadcast %broadcast_in_dim3A_264 : i32 to vector<16xi32>
        %gather3A_266 = tpu.vector_load_idx %arg4[%broadcast_in_dim3A_265, %broadcast_in_dim3A_254] : memref<7x5120xf32, #tpu.memory_space<vmem>>[vector<16xi32>, vector<16xi32>], vector<16xf32>,
        %broadcast_in_dim3A_267 = arith.constant 5 : i32
        %broadcast_in_dim3A_268 = vector.broadcast %broadcast_in_dim3A_267 : i32 to vector<16xi32>
        %gather3A_269 = tpu.vector_load_idx %arg4[%broadcast_in_dim3A_268, %broadcast_in_dim3A_254] : memref<7x5120xf32, #tpu.memory_space<vmem>>[vector<16xi32>, vector<16xi32>], vector<16xf32>,
        %broadcast_in_dim3A_270 = arith.constant 6 : i32
        %broadcast_in_dim3A_271 = vector.broadcast %broadcast_in_dim3A_270 : i32 to vector<16xi32>
        %gather3A_272 = tpu.vector_load_idx %arg4[%broadcast_in_dim3A_271, %broadcast_in_dim3A_254] : memref<7x5120xf32, #tpu.memory_space<vmem>>[vector<16xi32>, vector<16xi32>], vector<16xf32>,
        %get3A_273 = arith.constant 0 : i32
        %get3A_274 = arith.index_cast %get3A_273 : i32 to index
        %get3A_275 = arith.constant 0 : index
        %get3A_276 = tpu.vector_load %arg6[%get3A_274, %get3A_275] {strides = array<i32>} : memref<5x32xf32, #tpu.memory_space<vmem>>, vector<16xf32>,
        %get3A_277 = arith.constant 1 : i32
        %get3A_278 = arith.index_cast %get3A_277 : i32 to index
        %get3A_279 = arith.constant 0 : index
        %get3A_280 = tpu.vector_load %arg6[%get3A_278, %get3A_279] {strides = array<i32>} : memref<5x32xf32, #tpu.memory_space<vmem>>, vector<16xf32>,
        %get3A_281 = arith.constant 2 : i32
        %get3A_282 = arith.index_cast %get3A_281 : i32 to index
        %get3A_283 = arith.constant 0 : index
        %get3A_284 = tpu.vector_load %arg6[%get3A_282, %get3A_283] {strides = array<i32>} : memref<5x32xf32, #tpu.memory_space<vmem>>, vector<16xf32>,
        %get3A_285 = arith.constant 3 : i32
        %get3A_286 = arith.index_cast %get3A_285 : i32 to index
        %get3A_287 = arith.constant 0 : index
        %get3A_288 = tpu.vector_load %arg6[%get3A_286, %get3A_287] {strides = array<i32>} : memref<5x32xf32, #tpu.memory_space<vmem>>, vector<16xf32>,
        %get3A_289 = arith.constant 4 : i32
        %get3A_290 = arith.index_cast %get3A_289 : i32 to index
        %get3A_291 = arith.constant 0 : index
        %get3A_292 = tpu.vector_load %arg6[%get3A_290, %get3A_291] {strides = array<i32>} : memref<5x32xf32, #tpu.memory_space<vmem>>, vector<16xf32>,
        %max3A_293 = arith.maximumf %get3A_276, %gather3A_257 : vector<16xf32>
        %max3A_294 = arith.maximumf %get3A_280, %gather3A_260 : vector<16xf32>
        %min3A = arith.minimumf %get3A_284, %gather3A_263 : vector<16xf32>
        %min3A_295 = arith.minimumf %get3A_288, %gather3A_266 : vector<16xf32>
        %sub3A = arith.subf %min3A, %max3A_293 : vector<16xf32>
        %max3A_296 = arith.constant 0.000000e+00 : f32
        %max3A_297 = vector.broadcast %max3A_296 : f32 to vector<16xf32>
        %max3A_298 = arith.maximumf %sub3A, %max3A_297 : vector<16xf32>
        %sub3A_299 = arith.subf %min3A_295, %max3A_294 : vector<16xf32>
        %max3A_300 = arith.constant 0.000000e+00 : f32
        %max3A_301 = vector.broadcast %max3A_300 : f32 to vector<16xf32>
        %max3A_302 = arith.maximumf %sub3A_299, %max3A_301 : vector<16xf32>
        %mul3A_303 = arith.mulf %max3A_298, %max3A_302 : vector<16xf32>
        %add3A_304 = arith.addf %get3A_292, %gather3A_272 : vector<16xf32>
        %sub3A_305 = arith.subf %add3A_304, %mul3A_303 : vector<16xf32>
        %gt3A = arith.constant 0.000000e+00 : f32
        %gt3A_306 = vector.broadcast %gt3A : f32 to vector<16xf32>
        %gt3A_307 = arith.cmpf ogt, %sub3A_305, %gt3A_306 : vector<16xf32>
        %div3A = arith.divf %mul3A_303, %sub3A_305 : vector<16xf32>
        %jit3A_308 = arith.constant 0.000000e+00 : f32
        %broadcast_in_dim3A_309 = vector.broadcast %jit3A_308 : f32 to vector<16xf32>
        %select_n3A_310 = arith.select %gt3A_307, %div3A, %broadcast_in_dim3A_309 : vector<16xi1>, vector<16xf32>
        %add3A_311 = arith.constant 0 : i32
        %add3A_312 = vector.broadcast %add3A_311 : i32 to vector<16xi32>
        %add3A_313 = arith.addi %iota3A, %add3A_312 : vector<16xi32>
        %lt3A_314 = vector.broadcast %while3A_79 : i32 to vector<16xi32>
        %lt3A_315 = arith.cmpi slt, %add3A_313, %lt3A_314 : vector<16xi32>
        %gt3A_316 = arith.constant 5.000000e-01 : f32
        %gt3A_317 = vector.broadcast %gt3A_316 : f32 to vector<16xf32>
        %gt3A_318 = arith.cmpf ogt, %select_n3A_310, %gt3A_317 : vector<16xf32>
        %and3A_319 = arith.andi %gt3A_318, %lt3A_315 : vector<16xi1>
        %all_reduce_population_count3A = tpu.all_reduce %and3A_319 {dim = 0 : i64, kind = #tpu.reduction_kind<sum>} : vector<16xi1> -> vector<16xi32>
        %slice3A_320 = vector.extract_strided_slice %all_reduce_population_count3A {offsets = [0], sizes = [1], strides = [1]} : vector<16xi32> to vector<1xi32>
        %squeeze3A_321 = vector.extract %slice3A_320[0] : i32 from vector<1xi32>
        %gt3A_322 = arith.constant 16 : i32
        %gt3A_323 = arith.cmpi sgt, %while3A_79, %gt3A_322 : i32
        %convert_element_type3A_324 = arith.extui %gt3A_323 : i1 to i32
        %cond3A_325 = arith.constant 0 : i32
        %cond3A_326 = arith.cmpi ne, %convert_element_type3A_324, %cond3A_325 : i32
        %cond3A_327 = scf.if %cond3A_326 -> (i32) {
          %get3A_501 = arith.constant 0 : i32
          %get3A_502 = arith.index_cast %get3A_501 : i32 to index
          %get3A_503 = arith.constant 16 : index
          %get3A_504 = tpu.vector_load %arg6[%get3A_502, %get3A_503] {strides = array<i32>} : memref<5x32xf32, #tpu.memory_space<vmem>>, vector<16xf32>,
          %get3A_505 = arith.constant 1 : i32
          %get3A_506 = arith.index_cast %get3A_505 : i32 to index
          %get3A_507 = arith.constant 16 : index
          %get3A_508 = tpu.vector_load %arg6[%get3A_506, %get3A_507] {strides = array<i32>} : memref<5x32xf32, #tpu.memory_space<vmem>>, vector<16xf32>,
          %get3A_509 = arith.constant 2 : i32
          %get3A_510 = arith.index_cast %get3A_509 : i32 to index
          %get3A_511 = arith.constant 16 : index
          %get3A_512 = tpu.vector_load %arg6[%get3A_510, %get3A_511] {strides = array<i32>} : memref<5x32xf32, #tpu.memory_space<vmem>>, vector<16xf32>,
          %get3A_513 = arith.constant 3 : i32
          %get3A_514 = arith.index_cast %get3A_513 : i32 to index
          %get3A_515 = arith.constant 16 : index
          %get3A_516 = tpu.vector_load %arg6[%get3A_514, %get3A_515] {strides = array<i32>} : memref<5x32xf32, #tpu.memory_space<vmem>>, vector<16xf32>,
          %get3A_517 = arith.constant 4 : i32
          %get3A_518 = arith.index_cast %get3A_517 : i32 to index
          %get3A_519 = arith.constant 16 : index
          %get3A_520 = tpu.vector_load %arg6[%get3A_518, %get3A_519] {strides = array<i32>} : memref<5x32xf32, #tpu.memory_space<vmem>>, vector<16xf32>,
          %max3A_521 = arith.maximumf %get3A_504, %gather3A_257 : vector<16xf32>
          %max3A_522 = arith.maximumf %get3A_508, %gather3A_260 : vector<16xf32>
          %min3A_523 = arith.minimumf %get3A_512, %gather3A_263 : vector<16xf32>
          %min3A_524 = arith.minimumf %get3A_516, %gather3A_266 : vector<16xf32>
          %sub3A_525 = arith.subf %min3A_523, %max3A_521 : vector<16xf32>
          %max3A_526 = arith.constant 0.000000e+00 : f32
          %max3A_527 = vector.broadcast %max3A_526 : f32 to vector<16xf32>
          %max3A_528 = arith.maximumf %sub3A_525, %max3A_527 : vector<16xf32>
          %sub3A_529 = arith.subf %min3A_524, %max3A_522 : vector<16xf32>
          %max3A_530 = arith.constant 0.000000e+00 : f32
          %max3A_531 = vector.broadcast %max3A_530 : f32 to vector<16xf32>
          %max3A_532 = arith.maximumf %sub3A_529, %max3A_531 : vector<16xf32>
          %mul3A_533 = arith.mulf %max3A_528, %max3A_532 : vector<16xf32>
          %add3A_534 = arith.addf %get3A_520, %gather3A_272 : vector<16xf32>
          %sub3A_535 = arith.subf %add3A_534, %mul3A_533 : vector<16xf32>
          %gt3A_536 = arith.constant 0.000000e+00 : f32
          %gt3A_537 = vector.broadcast %gt3A_536 : f32 to vector<16xf32>
          %gt3A_538 = arith.cmpf ogt, %sub3A_535, %gt3A_537 : vector<16xf32>
          %div3A_539 = arith.divf %mul3A_533, %sub3A_535 : vector<16xf32>
          %jit3A_540 = arith.constant 0.000000e+00 : f32
          %broadcast_in_dim3A_541 = vector.broadcast %jit3A_540 : f32 to vector<16xf32>
          %select_n3A_542 = arith.select %gt3A_538, %div3A_539, %broadcast_in_dim3A_541 : vector<16xi1>, vector<16xf32>
          %add3A_543 = arith.constant 16 : i32
          %add3A_544 = vector.broadcast %add3A_543 : i32 to vector<16xi32>
          %add3A_545 = arith.addi %iota3A, %add3A_544 : vector<16xi32>
          %lt3A_546 = vector.broadcast %while3A_79 : i32 to vector<16xi32>
          %lt3A_547 = arith.cmpi slt, %add3A_545, %lt3A_546 : vector<16xi32>
          %gt3A_548 = arith.constant 5.000000e-01 : f32
          %gt3A_549 = vector.broadcast %gt3A_548 : f32 to vector<16xf32>
          %gt3A_550 = arith.cmpf ogt, %select_n3A_542, %gt3A_549 : vector<16xf32>
          %and3A_551 = arith.andi %gt3A_550, %lt3A_547 : vector<16xi1>
          %all_reduce_population_count3A_552 = tpu.all_reduce %and3A_551 {dim = 0 : i64, kind = #tpu.reduction_kind<sum>} : vector<16xi1> -> vector<16xi32>
          %slice3A_553 = vector.extract_strided_slice %all_reduce_population_count3A_552 {offsets = [0], sizes = [1], strides = [1]} : vector<16xi32> to vector<1xi32>
          %squeeze3A_554 = vector.extract %slice3A_553[0] : i32 from vector<1xi32>
          scf.yield %squeeze3A_554 : i32
        } else {
          %cond3A_501 = arith.constant 0 : i32
          scf.yield %cond3A_501 : i32
        }
        %add3A_328 = arith.addi %squeeze3A_321, %cond3A_327 : i32
        %eq3A_329 = arith.constant 0 : i32
        %eq3A_330 = arith.cmpi eq, %add3A_328, %eq3A_329 : i32
        %broadcast_in_dim3A_331 = vector.broadcast %eq3A_330 : i1 to vector<16xi1>
        %and3A_332 = arith.andi %eq3A_4, %broadcast_in_dim3A_331 : vector<16xi1>
        %broadcast_in_dim3A_333 = vector.broadcast %while3A_79 : i32 to vector<16xi32>
        tpu.vector_store_idx %arg6[%broadcast_in_dim3A_5, %broadcast_in_dim3A_333], %gather3A_257 masked %and3A_332 : memref<5x32xf32, #tpu.memory_space<vmem>>[vector<16xi32>, vector<16xi32>], vector<16xf32>, vector<16xi1>
        %add3A_334 = arith.constant 1 : i32
        %add3A_335 = vector.broadcast %add3A_334 : i32 to vector<16xi32>
        %add3A_336 = arith.addi %broadcast_in_dim3A_5, %add3A_335 : vector<16xi32>
        tpu.vector_store_idx %arg6[%add3A_336, %broadcast_in_dim3A_333], %gather3A_260 masked %and3A_332 : memref<5x32xf32, #tpu.memory_space<vmem>>[vector<16xi32>, vector<16xi32>], vector<16xf32>, vector<16xi1>
        %add3A_337 = arith.constant 2 : i32
        %add3A_338 = vector.broadcast %add3A_337 : i32 to vector<16xi32>
        %add3A_339 = arith.addi %broadcast_in_dim3A_5, %add3A_338 : vector<16xi32>
        tpu.vector_store_idx %arg6[%add3A_339, %broadcast_in_dim3A_333], %gather3A_263 masked %and3A_332 : memref<5x32xf32, #tpu.memory_space<vmem>>[vector<16xi32>, vector<16xi32>], vector<16xf32>, vector<16xi1>
        %add3A_340 = arith.constant 3 : i32
        %add3A_341 = vector.broadcast %add3A_340 : i32 to vector<16xi32>
        %add3A_342 = arith.addi %broadcast_in_dim3A_5, %add3A_341 : vector<16xi32>
        tpu.vector_store_idx %arg6[%add3A_342, %broadcast_in_dim3A_333], %gather3A_266 masked %and3A_332 : memref<5x32xf32, #tpu.memory_space<vmem>>[vector<16xi32>, vector<16xi32>], vector<16xf32>, vector<16xi1>
        %add3A_343 = arith.constant 4 : i32
        %add3A_344 = vector.broadcast %add3A_343 : i32 to vector<16xi32>
        %add3A_345 = arith.addi %broadcast_in_dim3A_5, %add3A_344 : vector<16xi32>
        tpu.vector_store_idx %arg6[%add3A_345, %broadcast_in_dim3A_333], %gather3A_272 masked %and3A_332 : memref<5x32xf32, #tpu.memory_space<vmem>>[vector<16xi32>, vector<16xi32>], vector<16xf32>, vector<16xi1>
        %eq3A_346 = arith.constant 1 : i32
        %eq3A_347 = vector.broadcast %eq3A_346 : i32 to vector<16xi32>
        %eq3A_348 = arith.cmpi eq, %iota3A, %eq3A_347 : vector<16xi32>
        %select_n3A_349 = arith.select %eq3A_348, %gather3A_260, %gather3A_257 : vector<16xi1>, vector<16xf32>
        %eq3A_350 = arith.constant 2 : i32
        %eq3A_351 = vector.broadcast %eq3A_350 : i32 to vector<16xi32>
        %eq3A_352 = arith.cmpi eq, %iota3A, %eq3A_351 : vector<16xi32>
        %select_n3A_353 = arith.select %eq3A_352, %gather3A_263, %select_n3A_349 : vector<16xi1>, vector<16xf32>
        %eq3A_354 = arith.constant 3 : i32
        %eq3A_355 = vector.broadcast %eq3A_354 : i32 to vector<16xi32>
        %eq3A_356 = arith.cmpi eq, %iota3A, %eq3A_355 : vector<16xi32>
        %select_n3A_357 = arith.select %eq3A_356, %gather3A_266, %select_n3A_353 : vector<16xi1>, vector<16xf32>
        %eq3A_358 = arith.constant 4 : i32
        %eq3A_359 = vector.broadcast %eq3A_358 : i32 to vector<16xi32>
        %eq3A_360 = arith.cmpi eq, %iota3A, %eq3A_359 : vector<16xi32>
        %select_n3A_361 = arith.select %eq3A_360, %broadcast_in_dim3A_81, %select_n3A_357 : vector<16xi1>, vector<16xf32>
        %eq3A_362 = arith.constant 5 : i32
        %eq3A_363 = vector.broadcast %eq3A_362 : i32 to vector<16xi32>
        %eq3A_364 = arith.cmpi eq, %iota3A, %eq3A_363 : vector<16xi32>
        %select_n3A_365 = arith.select %eq3A_364, %gather3A_269, %select_n3A_361 : vector<16xi1>, vector<16xf32>
        %mul3A_366 = arith.constant 8 : i32
        %mul3A_367 = vector.broadcast %mul3A_366 : i32 to vector<16xi32>
        %mul3A_368 = arith.muli %broadcast_in_dim3A_333, %mul3A_367 : vector<16xi32>
        %add3A_369 = arith.addi %mul3A_368, %iota3A : vector<16xi32>
        %lt3A_370 = arith.constant 6 : i32
        %lt3A_371 = vector.broadcast %lt3A_370 : i32 to vector<16xi32>
        %lt3A_372 = arith.cmpi slt, %iota3A, %lt3A_371 : vector<16xi32>
        %and3A_373 = arith.andi %lt3A_372, %broadcast_in_dim3A_331 : vector<16xi1>
        tpu.vector_store_idx %arg7[%add3A_369], %select_n3A_365 masked %and3A_373 : memref<256xf32, #tpu.memory_space<vmem>>[vector<16xi32>], vector<16xf32>, vector<16xi1>
        %add3A_374 = arith.constant 4 : i32
        %add3A_375 = vector.broadcast %add3A_374 : i32 to vector<16xi32>
        %add3A_376 = arith.addi %broadcast_in_dim3A_5, %add3A_375 : vector<16xi32>
        tpu.vector_store_idx %arg4[%add3A_376, %broadcast_in_dim3A_254], %broadcast_in_dim3A_7 masked %eq3A_4 : memref<7x5120xf32, #tpu.memory_space<vmem>>[vector<16xi32>, vector<16xi32>], vector<16xf32>, vector<16xi1>
        %get3A_377 = arith.constant 4 : i32
        %get3A_378 = arith.index_cast %get3A_377 : i32 to index
        %get3A_379 = arith.index_cast %mul3A_109 : i32 to index
        %get3A_380 = tpu.vector_load %arg4[%get3A_378, %get3A_379] {strides = array<i32>} : memref<7x5120xf32, #tpu.memory_space<vmem>>, vector<16xf32>,
        %add3A_381 = arith.constant 16 : i32
        %add3A_382 = arith.addi %mul3A_109, %add3A_381 : i32
        %get3A_383 = arith.constant 4 : i32
        %get3A_384 = arith.index_cast %get3A_383 : i32 to index
        %get3A_385 = arith.index_cast %add3A_382 : i32 to index
        %get3A_386 = tpu.vector_load %arg4[%get3A_384, %get3A_385] {strides = array<i32>} : memref<7x5120xf32, #tpu.memory_space<vmem>>, vector<16xf32>,
        %max3A_387 = arith.maximumf %get3A_380, %get3A_386 : vector<16xf32>
        %add3A_388 = arith.constant 32 : i32
        %add3A_389 = arith.addi %mul3A_109, %add3A_388 : i32
        %get3A_390 = arith.constant 4 : i32
        %get3A_391 = arith.index_cast %get3A_390 : i32 to index
        %get3A_392 = arith.index_cast %add3A_389 : i32 to index
        %get3A_393 = tpu.vector_load %arg4[%get3A_391, %get3A_392] {strides = array<i32>} : memref<7x5120xf32, #tpu.memory_space<vmem>>, vector<16xf32>,
        %max3A_394 = arith.maximumf %max3A_387, %get3A_393 : vector<16xf32>
        %add3A_395 = arith.constant 48 : i32
        %add3A_396 = arith.addi %mul3A_109, %add3A_395 : i32
        %get3A_397 = arith.constant 4 : i32
        %get3A_398 = arith.index_cast %get3A_397 : i32 to index
        %get3A_399 = arith.index_cast %add3A_396 : i32 to index
        %get3A_400 = tpu.vector_load %arg4[%get3A_398, %get3A_399] {strides = array<i32>} : memref<7x5120xf32, #tpu.memory_space<vmem>>, vector<16xf32>,
        %max3A_401 = arith.maximumf %max3A_394, %get3A_400 : vector<16xf32>
        %add3A_402 = arith.constant 64 : i32
        %add3A_403 = arith.addi %mul3A_109, %add3A_402 : i32
        %get3A_404 = arith.constant 4 : i32
        %get3A_405 = arith.index_cast %get3A_404 : i32 to index
        %get3A_406 = arith.index_cast %add3A_403 : i32 to index
        %get3A_407 = tpu.vector_load %arg4[%get3A_405, %get3A_406] {strides = array<i32>} : memref<7x5120xf32, #tpu.memory_space<vmem>>, vector<16xf32>,
        %max3A_408 = arith.maximumf %max3A_401, %get3A_407 : vector<16xf32>
        %add3A_409 = arith.constant 80 : i32
        %add3A_410 = arith.addi %mul3A_109, %add3A_409 : i32
        %get3A_411 = arith.constant 4 : i32
        %get3A_412 = arith.index_cast %get3A_411 : i32 to index
        %get3A_413 = arith.index_cast %add3A_410 : i32 to index
        %get3A_414 = tpu.vector_load %arg4[%get3A_412, %get3A_413] {strides = array<i32>} : memref<7x5120xf32, #tpu.memory_space<vmem>>, vector<16xf32>,
        %max3A_415 = arith.maximumf %max3A_408, %get3A_414 : vector<16xf32>
        %add3A_416 = arith.constant 96 : i32
        %add3A_417 = arith.addi %mul3A_109, %add3A_416 : i32
        %get3A_418 = arith.constant 4 : i32
        %get3A_419 = arith.index_cast %get3A_418 : i32 to index
        %get3A_420 = arith.index_cast %add3A_417 : i32 to index
        %get3A_421 = tpu.vector_load %arg4[%get3A_419, %get3A_420] {strides = array<i32>} : memref<7x5120xf32, #tpu.memory_space<vmem>>, vector<16xf32>,
        %max3A_422 = arith.maximumf %max3A_415, %get3A_421 : vector<16xf32>
        %add3A_423 = arith.constant 112 : i32
        %add3A_424 = arith.addi %mul3A_109, %add3A_423 : i32
        %get3A_425 = arith.constant 4 : i32
        %get3A_426 = arith.index_cast %get3A_425 : i32 to index
        %get3A_427 = arith.index_cast %add3A_424 : i32 to index
        %get3A_428 = tpu.vector_load %arg4[%get3A_426, %get3A_427] {strides = array<i32>} : memref<7x5120xf32, #tpu.memory_space<vmem>>, vector<16xf32>,
        %max3A_429 = arith.maximumf %max3A_422, %get3A_428 : vector<16xf32>
        %swap3A_430 = arith.constant 0 : index
        %swap3A_431 = tpu.vector_load %arg8[%swap3A_430] {strides = array<i32>} : memref<16xf32, #tpu.memory_space<vmem>>, vector<16xf32>,
        tpu.vector_store %arg8[%swap3A_430], %max3A_429 {strides = array<i32>} : memref<16xf32, #tpu.memory_space<vmem>>, vector<16xf32>,
        %xor3A_432 = arith.constant 8 : i32
        %xor3A_433 = vector.broadcast %xor3A_432 : i32 to vector<16xi32>
        %xor3A_434 = arith.xori %iota3A, %xor3A_433 : vector<16xi32>
        %gather3A_435 = tpu.vector_load_idx %arg8[%xor3A_434] : memref<16xf32, #tpu.memory_space<vmem>>[vector<16xi32>], vector<16xf32>,
        %max3A_436 = arith.maximumf %max3A_429, %gather3A_435 : vector<16xf32>
        %swap3A_437 = arith.constant 0 : index
        %swap3A_438 = tpu.vector_load %arg8[%swap3A_437] {strides = array<i32>} : memref<16xf32, #tpu.memory_space<vmem>>, vector<16xf32>,
        tpu.vector_store %arg8[%swap3A_437], %max3A_436 {strides = array<i32>} : memref<16xf32, #tpu.memory_space<vmem>>, vector<16xf32>,
        %xor3A_439 = arith.constant 4 : i32
        %xor3A_440 = vector.broadcast %xor3A_439 : i32 to vector<16xi32>
        %xor3A_441 = arith.xori %iota3A, %xor3A_440 : vector<16xi32>
        %gather3A_442 = tpu.vector_load_idx %arg8[%xor3A_441] : memref<16xf32, #tpu.memory_space<vmem>>[vector<16xi32>], vector<16xf32>,
        %max3A_443 = arith.maximumf %max3A_436, %gather3A_442 : vector<16xf32>
        %swap3A_444 = arith.constant 0 : index
        %swap3A_445 = tpu.vector_load %arg8[%swap3A_444] {strides = array<i32>} : memref<16xf32, #tpu.memory_space<vmem>>, vector<16xf32>,
        tpu.vector_store %arg8[%swap3A_444], %max3A_443 {strides = array<i32>} : memref<16xf32, #tpu.memory_space<vmem>>, vector<16xf32>,
        %xor3A_446 = arith.constant 2 : i32
        %xor3A_447 = vector.broadcast %xor3A_446 : i32 to vector<16xi32>
        %xor3A_448 = arith.xori %iota3A, %xor3A_447 : vector<16xi32>
        %gather3A_449 = tpu.vector_load_idx %arg8[%xor3A_448] : memref<16xf32, #tpu.memory_space<vmem>>[vector<16xi32>], vector<16xf32>,
        %max3A_450 = arith.maximumf %max3A_443, %gather3A_449 : vector<16xf32>
        %swap3A_451 = arith.constant 0 : index
        %swap3A_452 = tpu.vector_load %arg8[%swap3A_451] {strides = array<i32>} : memref<16xf32, #tpu.memory_space<vmem>>, vector<16xf32>,
        tpu.vector_store %arg8[%swap3A_451], %max3A_450 {strides = array<i32>} : memref<16xf32, #tpu.memory_space<vmem>>, vector<16xf32>,
        %xor3A_453 = arith.constant 1 : i32
        %xor3A_454 = vector.broadcast %xor3A_453 : i32 to vector<16xi32>
        %xor3A_455 = arith.xori %iota3A, %xor3A_454 : vector<16xi32>
        %gather3A_456 = tpu.vector_load_idx %arg8[%xor3A_455] : memref<16xf32, #tpu.memory_space<vmem>>[vector<16xi32>], vector<16xf32>,
        %max3A_457 = arith.maximumf %max3A_450, %gather3A_456 : vector<16xf32>
        %broadcast_in_dim3A_458 = vector.broadcast %select_n3A_107 : i32 to vector<16xi32>
        tpu.vector_store_idx %arg5[%broadcast_in_dim3A_458], %max3A_457 masked %eq3A_4 : memref<48xf32, #tpu.memory_space<vmem>>[vector<16xi32>], vector<16xf32>, vector<16xi1>
        %jit3A_459 = arith.constant 1 : i32
        %jit3A_460 = arith.constant 0 : i32
        %select_n3A_461 = arith.select %eq3A_330, %jit3A_459, %jit3A_460 : i32
        %add3A_462 = arith.addi %while3A_79, %select_n3A_461 : i32
        %get3A_463 = arith.constant 0 : index
        %get3A_464 = tpu.vector_load %arg5[%get3A_463] {strides = array<i32>} : memref<48xf32, #tpu.memory_space<vmem>>, vector<16xf32>,
        %get3A_465 = arith.constant 16 : index
        %get3A_466 = tpu.vector_load %arg5[%get3A_465] {strides = array<i32>} : memref<48xf32, #tpu.memory_space<vmem>>, vector<16xf32>,
        %get3A_467 = arith.constant 32 : index
        %get3A_468 = tpu.vector_load %arg5[%get3A_467] {strides = array<i32>} : memref<48xf32, #tpu.memory_space<vmem>>, vector<16xf32>,
        %max3A_469 = arith.maximumf %get3A_464, %get3A_466 : vector<16xf32>
        %max3A_470 = arith.maximumf %max3A_469, %get3A_468 : vector<16xf32>
        %swap3A_471 = arith.constant 0 : index
        %swap3A_472 = tpu.vector_load %arg8[%swap3A_471] {strides = array<i32>} : memref<16xf32, #tpu.memory_space<vmem>>, vector<16xf32>,
        tpu.vector_store %arg8[%swap3A_471], %max3A_470 {strides = array<i32>} : memref<16xf32, #tpu.memory_space<vmem>>, vector<16xf32>,
        %xor3A_473 = arith.constant 8 : i32
        %xor3A_474 = vector.broadcast %xor3A_473 : i32 to vector<16xi32>
        %xor3A_475 = arith.xori %iota3A, %xor3A_474 : vector<16xi32>
        %gather3A_476 = tpu.vector_load_idx %arg8[%xor3A_475] : memref<16xf32, #tpu.memory_space<vmem>>[vector<16xi32>], vector<16xf32>,
        %max3A_477 = arith.maximumf %max3A_470, %gather3A_476 : vector<16xf32>
        %swap3A_478 = arith.constant 0 : index
        %swap3A_479 = tpu.vector_load %arg8[%swap3A_478] {strides = array<i32>} : memref<16xf32, #tpu.memory_space<vmem>>, vector<16xf32>,
        tpu.vector_store %arg8[%swap3A_478], %max3A_477 {strides = array<i32>} : memref<16xf32, #tpu.memory_space<vmem>>, vector<16xf32>,
        %xor3A_480 = arith.constant 4 : i32
        %xor3A_481 = vector.broadcast %xor3A_480 : i32 to vector<16xi32>
        %xor3A_482 = arith.xori %iota3A, %xor3A_481 : vector<16xi32>
        %gather3A_483 = tpu.vector_load_idx %arg8[%xor3A_482] : memref<16xf32, #tpu.memory_space<vmem>>[vector<16xi32>], vector<16xf32>,
        %max3A_484 = arith.maximumf %max3A_477, %gather3A_483 : vector<16xf32>
        %swap3A_485 = arith.constant 0 : index
        %swap3A_486 = tpu.vector_load %arg8[%swap3A_485] {strides = array<i32>} : memref<16xf32, #tpu.memory_space<vmem>>, vector<16xf32>,
        tpu.vector_store %arg8[%swap3A_485], %max3A_484 {strides = array<i32>} : memref<16xf32, #tpu.memory_space<vmem>>, vector<16xf32>,
        %xor3A_487 = arith.constant 2 : i32
        %xor3A_488 = vector.broadcast %xor3A_487 : i32 to vector<16xi32>
        %xor3A_489 = arith.xori %iota3A, %xor3A_488 : vector<16xi32>
        %gather3A_490 = tpu.vector_load_idx %arg8[%xor3A_489] : memref<16xf32, #tpu.memory_space<vmem>>[vector<16xi32>], vector<16xf32>,
        %max3A_491 = arith.maximumf %max3A_484, %gather3A_490 : vector<16xf32>
        %swap3A_492 = arith.constant 0 : index
        %swap3A_493 = tpu.vector_load %arg8[%swap3A_492] {strides = array<i32>} : memref<16xf32, #tpu.memory_space<vmem>>, vector<16xf32>,
        tpu.vector_store %arg8[%swap3A_492], %max3A_491 {strides = array<i32>} : memref<16xf32, #tpu.memory_space<vmem>>, vector<16xf32>,
        %xor3A_494 = arith.constant 1 : i32
        %xor3A_495 = vector.broadcast %xor3A_494 : i32 to vector<16xi32>
        %xor3A_496 = arith.xori %iota3A, %xor3A_495 : vector<16xi32>
        %gather3A_497 = tpu.vector_load_idx %arg8[%xor3A_496] : memref<16xf32, #tpu.memory_space<vmem>>[vector<16xi32>], vector<16xf32>,
        %max3A_498 = arith.maximumf %max3A_491, %gather3A_497 : vector<16xf32>
        %slice3A_499 = vector.extract_strided_slice %max3A_498 {offsets = [0], sizes = [1], strides = [1]} : vector<16xf32> to vector<1xf32>
        %squeeze3A_500 = vector.extract %slice3A_499[0] : f32 from vector<1xf32>
        scf.yield %add3A_462, %squeeze3A_500 : i32, f32
      }
      "tpu.region"() ({
        %run_scoped3A = tpu.sem_alloc : memref<!tpu.dma_semaphore, #tpu.memory_space<semaphore_mem>>
        %dma_start3A = arith.constant 0 : i32
        %dma_start3A_79 = tpu.memref_slice %arg3[%add3A, %dma_start3A] : memref<16x256xf32, #tpu.memory_space<hbm>> -> memref<1x256xf32, #tpu.memory_space<hbm>>
        %dma_start3A_80 = tpu.memref_squeeze %dma_start3A_79 : memref<1x256xf32, #tpu.memory_space<hbm>> -> memref<256xf32, #tpu.memory_space<hbm>>
        %dma_start3A_81 = arith.constant 0 : i32
        %dma_start3A_82 = tpu.memref_slice %arg3[%add3A, %dma_start3A_81] : memref<16x256xf32, #tpu.memory_space<hbm>> -> memref<1x256xf32, #tpu.memory_space<hbm>>
        %dma_start3A_83 = tpu.memref_squeeze %dma_start3A_82 : memref<1x256xf32, #tpu.memory_space<hbm>> -> memref<256xf32, #tpu.memory_space<hbm>>
        tpu.enqueue_dma source(%arg7 : memref<256xf32, #tpu.memory_space<vmem>>) target(%dma_start3A_83 : memref<256xf32, #tpu.memory_space<hbm>>) target_semaphore(%run_scoped3A : memref<!tpu.dma_semaphore, #tpu.memory_space<semaphore_mem>>)
        %dma_wait3A = arith.constant 0 : i32
        %dma_wait3A_84 = tpu.memref_slice %arg3[%add3A, %dma_wait3A] : memref<16x256xf32, #tpu.memory_space<hbm>> -> memref<1x256xf32, #tpu.memory_space<hbm>>
        %dma_wait3A_85 = tpu.memref_squeeze %dma_wait3A_84 : memref<1x256xf32, #tpu.memory_space<hbm>> -> memref<256xf32, #tpu.memory_space<hbm>>
        %dma_wait3A_86 = arith.constant 0 : i32
        %dma_wait3A_87 = tpu.memref_slice %arg3[%add3A, %dma_wait3A_86] : memref<16x256xf32, #tpu.memory_space<hbm>> -> memref<1x256xf32, #tpu.memory_space<hbm>>
        %dma_wait3A_88 = tpu.memref_squeeze %dma_wait3A_87 : memref<1x256xf32, #tpu.memory_space<hbm>> -> memref<256xf32, #tpu.memory_space<hbm>>
        tpu.wait_dma2 semaphore(%run_scoped3A : memref<!tpu.dma_semaphore, #tpu.memory_space<semaphore_mem>>) src(%arg7 : memref<256xf32, #tpu.memory_space<vmem>>) dst(%dma_wait3A_88 : memref<256xf32, #tpu.memory_space<hbm>>)
        tpu.yield
      }) : () -> ()
    } else {
    }
    return
  }
}

module attributes {stable_mosaic.version = 14 : i64} {
  func.func @_stage1_body(%arg0: i32, %arg1: memref<4x5000x85xf32, #tpu.memory_space<vmem>>, %arg2: memref<4x7x5120xf32, #tpu.memory_space<vmem>>) attributes {dimension_semantics = [#tpu.dimension_semantics<arbitrary>], iteration_bounds = array<i64: 4>, scalar_prefetch = 0 : i64, scratch_operands = 0 : i64, tpu.core_type = #tpu.core_type<tc>, window_params = [{transform_indices = @transform_0, window_bounds = array<i64: 4, 5000, 85>}, {transform_indices = @transform_1, window_bounds = array<i64: 4, 7, 5120>}]} {
    %get3A = arith.constant 0 : index
    %get3A_0 = arith.constant 0 : index
    %get3A_1 = arith.constant 0 : index
    %get3A_2 = vector.load %arg1[%get3A, %get3A_0, %get3A_1] : memref<4x5000x85xf32, #tpu.memory_space<vmem>>, vector<1x5000x85xf32>
    %get3A_3 = vector.shape_cast %get3A_2 : vector<1x5000x85xf32> to vector<5000x85xf32>
    %transpose3A = tpu.transpose %get3A_3, [1, 0] : vector<5000x85xf32> -> vector<85x5000xf32>
    %slice3A = vector.extract_strided_slice %transpose3A {offsets = [0, 0], sizes = [1, 5000], strides = [1, 1]} : vector<85x5000xf32> to vector<1x5000xf32>
    %slice3A_4 = vector.extract_strided_slice %transpose3A {offsets = [1, 0], sizes = [1, 5000], strides = [1, 1]} : vector<85x5000xf32> to vector<1x5000xf32>
    %slice3A_5 = vector.extract_strided_slice %transpose3A {offsets = [2, 0], sizes = [1, 5000], strides = [1, 1]} : vector<85x5000xf32> to vector<1x5000xf32>
    %slice3A_6 = vector.extract_strided_slice %transpose3A {offsets = [3, 0], sizes = [1, 5000], strides = [1, 1]} : vector<85x5000xf32> to vector<1x5000xf32>
    %slice3A_7 = vector.extract_strided_slice %transpose3A {offsets = [4, 0], sizes = [1, 5000], strides = [1, 1]} : vector<85x5000xf32> to vector<1x5000xf32>
    %slice3A_8 = vector.extract_strided_slice %transpose3A {offsets = [5, 0], sizes = [80, 5000], strides = [1, 1]} : vector<85x5000xf32> to vector<80x5000xf32>
    %mul3A = vector.broadcast %slice3A_7 : vector<1x5000xf32> to vector<80x5000xf32>
    %mul3A_9 = arith.mulf %mul3A, %slice3A_8 : vector<80x5000xf32>
    %reduce_max3A = arith.constant dense<0xFF800000> : vector<5000xf32>
    %reduce_max3A_10 = vector.multi_reduction <maximumf>, %mul3A_9, %reduce_max3A [0] : vector<80x5000xf32> to vector<5000xf32>
    %broadcast_in_dim3A = vector.shape_cast %reduce_max3A_10 : vector<5000xf32> to vector<1x5000xf32>
    %eq3A = vector.broadcast %broadcast_in_dim3A : vector<1x5000xf32> to vector<80x5000xf32>
    %eq3A_11 = arith.cmpf oeq, %mul3A_9, %eq3A : vector<80x5000xf32>
    %iota3A = tpu.iota {dimensions = array<i32: 0>} : vector<80x5000xi32>
    %jit3A = arith.constant 80 : i32
    %broadcast_in_dim3A_12 = vector.broadcast %jit3A : i32 to vector<80x5000xi32>
    %select_n3A = arith.select %eq3A_11, %iota3A, %broadcast_in_dim3A_12 : vector<80x5000xi1>, vector<80x5000xi32>
    %reduce_min3A = arith.constant dense<2147483647> : vector<5000xi32>
    %reduce_min3A_13 = vector.multi_reduction <minsi>, %select_n3A, %reduce_min3A [0] : vector<80x5000xi32> to vector<5000xi32>
    %broadcast_in_dim3A_14 = vector.shape_cast %reduce_min3A_13 : vector<5000xi32> to vector<1x5000xi32>
    %convert_element_type3A = arith.sitofp %broadcast_in_dim3A_14 : vector<1x5000xi32> to vector<1x5000xf32>
    %ge3A = arith.constant 3.000000e-01 : f32
    %ge3A_15 = vector.broadcast %ge3A : f32 to vector<1x5000xf32>
    %ge3A_16 = arith.cmpf oge, %broadcast_in_dim3A, %ge3A_15 : vector<1x5000xf32>
    %jit3A_17 = arith.constant 0.000000e+00 : f32
    %broadcast_in_dim3A_18 = vector.broadcast %jit3A_17 : f32 to vector<1x5000xf32>
    %select_n3A_19 = arith.select %ge3A_16, %broadcast_in_dim3A, %broadcast_in_dim3A_18 : vector<1x5000xi1>, vector<1x5000xf32>
    %sub3A = arith.subf %slice3A_5, %slice3A : vector<1x5000xf32>
    %max3A = arith.constant 0.000000e+00 : f32
    %max3A_20 = vector.broadcast %max3A : f32 to vector<1x5000xf32>
    %max3A_21 = arith.maximumf %sub3A, %max3A_20 : vector<1x5000xf32>
    %sub3A_22 = arith.subf %slice3A_6, %slice3A_4 : vector<1x5000xf32>
    %max3A_23 = arith.constant 0.000000e+00 : f32
    %max3A_24 = vector.broadcast %max3A_23 : f32 to vector<1x5000xf32>
    %max3A_25 = arith.maximumf %sub3A_22, %max3A_24 : vector<1x5000xf32>
    %mul3A_26 = arith.mulf %max3A_21, %max3A_25 : vector<1x5000xf32>
    %concatenate3A = tpu.concatenate %slice3A, %slice3A_4, %slice3A_5, %slice3A_6, %select_n3A_19, %convert_element_type3A, %mul3A_26 in 0 : vector<1x5000xf32>, vector<1x5000xf32>, vector<1x5000xf32>, vector<1x5000xf32>, vector<1x5000xf32>, vector<1x5000xf32>, vector<1x5000xf32> -> vector<7x5000xf32>
    %jit3A_27 = arith.constant 0 : i32
    %convert_element_type3A_28 = arith.sitofp %jit3A_27 : i32 to f32
    %pad3A = vector.broadcast %convert_element_type3A_28 : f32 to vector<7x120xf32>
    %pad3A_29 = tpu.concatenate %concatenate3A, %pad3A in 1 : vector<7x5000xf32>, vector<7x120xf32> -> vector<7x5120xf32>
    %swap3A = arith.constant 0 : index
    %swap3A_30 = arith.constant 0 : index
    %swap3A_31 = arith.constant 0 : index
    %swap3A_32 = vector.load %arg2[%swap3A, %swap3A_30, %swap3A_31] : memref<4x7x5120xf32, #tpu.memory_space<vmem>>, vector<1x7x5120xf32>
    %swap3A_33 = vector.shape_cast %swap3A_32 : vector<1x7x5120xf32> to vector<7x5120xf32>
    %swap3A_34 = vector.shape_cast %pad3A_29 : vector<7x5120xf32> to vector<1x7x5120xf32>
    tpu.vector_store %arg2[%swap3A, %swap3A_30, %swap3A_31], %swap3A_34 {strides = array<i32>} : memref<4x7x5120xf32, #tpu.memory_space<vmem>>, vector<1x7x5120xf32>,
    %get3A_35 = arith.constant 1 : index
    %get3A_36 = arith.constant 0 : index
    %get3A_37 = arith.constant 0 : index
    %get3A_38 = vector.load %arg1[%get3A_35, %get3A_36, %get3A_37] : memref<4x5000x85xf32, #tpu.memory_space<vmem>>, vector<1x5000x85xf32>
    %get3A_39 = vector.shape_cast %get3A_38 : vector<1x5000x85xf32> to vector<5000x85xf32>
    %transpose3A_40 = tpu.transpose %get3A_39, [1, 0] : vector<5000x85xf32> -> vector<85x5000xf32>
    %slice3A_41 = vector.extract_strided_slice %transpose3A_40 {offsets = [0, 0], sizes = [1, 5000], strides = [1, 1]} : vector<85x5000xf32> to vector<1x5000xf32>
    %slice3A_42 = vector.extract_strided_slice %transpose3A_40 {offsets = [1, 0], sizes = [1, 5000], strides = [1, 1]} : vector<85x5000xf32> to vector<1x5000xf32>
    %slice3A_43 = vector.extract_strided_slice %transpose3A_40 {offsets = [2, 0], sizes = [1, 5000], strides = [1, 1]} : vector<85x5000xf32> to vector<1x5000xf32>
    %slice3A_44 = vector.extract_strided_slice %transpose3A_40 {offsets = [3, 0], sizes = [1, 5000], strides = [1, 1]} : vector<85x5000xf32> to vector<1x5000xf32>
    %slice3A_45 = vector.extract_strided_slice %transpose3A_40 {offsets = [4, 0], sizes = [1, 5000], strides = [1, 1]} : vector<85x5000xf32> to vector<1x5000xf32>
    %slice3A_46 = vector.extract_strided_slice %transpose3A_40 {offsets = [5, 0], sizes = [80, 5000], strides = [1, 1]} : vector<85x5000xf32> to vector<80x5000xf32>
    %mul3A_47 = vector.broadcast %slice3A_45 : vector<1x5000xf32> to vector<80x5000xf32>
    %mul3A_48 = arith.mulf %mul3A_47, %slice3A_46 : vector<80x5000xf32>
    %reduce_max3A_49 = arith.constant dense<0xFF800000> : vector<5000xf32>
    %reduce_max3A_50 = vector.multi_reduction <maximumf>, %mul3A_48, %reduce_max3A_49 [0] : vector<80x5000xf32> to vector<5000xf32>
    %broadcast_in_dim3A_51 = vector.shape_cast %reduce_max3A_50 : vector<5000xf32> to vector<1x5000xf32>
    %eq3A_52 = vector.broadcast %broadcast_in_dim3A_51 : vector<1x5000xf32> to vector<80x5000xf32>
    %eq3A_53 = arith.cmpf oeq, %mul3A_48, %eq3A_52 : vector<80x5000xf32>
    %iota3A_54 = tpu.iota {dimensions = array<i32: 0>} : vector<80x5000xi32>
    %jit3A_55 = arith.constant 80 : i32
    %broadcast_in_dim3A_56 = vector.broadcast %jit3A_55 : i32 to vector<80x5000xi32>
    %select_n3A_57 = arith.select %eq3A_53, %iota3A_54, %broadcast_in_dim3A_56 : vector<80x5000xi1>, vector<80x5000xi32>
    %reduce_min3A_58 = arith.constant dense<2147483647> : vector<5000xi32>
    %reduce_min3A_59 = vector.multi_reduction <minsi>, %select_n3A_57, %reduce_min3A_58 [0] : vector<80x5000xi32> to vector<5000xi32>
    %broadcast_in_dim3A_60 = vector.shape_cast %reduce_min3A_59 : vector<5000xi32> to vector<1x5000xi32>
    %convert_element_type3A_61 = arith.sitofp %broadcast_in_dim3A_60 : vector<1x5000xi32> to vector<1x5000xf32>
    %ge3A_62 = arith.constant 3.000000e-01 : f32
    %ge3A_63 = vector.broadcast %ge3A_62 : f32 to vector<1x5000xf32>
    %ge3A_64 = arith.cmpf oge, %broadcast_in_dim3A_51, %ge3A_63 : vector<1x5000xf32>
    %jit3A_65 = arith.constant 0.000000e+00 : f32
    %broadcast_in_dim3A_66 = vector.broadcast %jit3A_65 : f32 to vector<1x5000xf32>
    %select_n3A_67 = arith.select %ge3A_64, %broadcast_in_dim3A_51, %broadcast_in_dim3A_66 : vector<1x5000xi1>, vector<1x5000xf32>
    %sub3A_68 = arith.subf %slice3A_43, %slice3A_41 : vector<1x5000xf32>
    %max3A_69 = arith.constant 0.000000e+00 : f32
    %max3A_70 = vector.broadcast %max3A_69 : f32 to vector<1x5000xf32>
    %max3A_71 = arith.maximumf %sub3A_68, %max3A_70 : vector<1x5000xf32>
    %sub3A_72 = arith.subf %slice3A_44, %slice3A_42 : vector<1x5000xf32>
    %max3A_73 = arith.constant 0.000000e+00 : f32
    %max3A_74 = vector.broadcast %max3A_73 : f32 to vector<1x5000xf32>
    %max3A_75 = arith.maximumf %sub3A_72, %max3A_74 : vector<1x5000xf32>
    %mul3A_76 = arith.mulf %max3A_71, %max3A_75 : vector<1x5000xf32>
    %concatenate3A_77 = tpu.concatenate %slice3A_41, %slice3A_42, %slice3A_43, %slice3A_44, %select_n3A_67, %convert_element_type3A_61, %mul3A_76 in 0 : vector<1x5000xf32>, vector<1x5000xf32>, vector<1x5000xf32>, vector<1x5000xf32>, vector<1x5000xf32>, vector<1x5000xf32>, vector<1x5000xf32> -> vector<7x5000xf32>
    %jit3A_78 = arith.constant 0 : i32
    %convert_element_type3A_79 = arith.sitofp %jit3A_78 : i32 to f32
    %pad3A_80 = vector.broadcast %convert_element_type3A_79 : f32 to vector<7x120xf32>
    %pad3A_81 = tpu.concatenate %concatenate3A_77, %pad3A_80 in 1 : vector<7x5000xf32>, vector<7x120xf32> -> vector<7x5120xf32>
    %swap3A_82 = arith.constant 1 : index
    %swap3A_83 = arith.constant 0 : index
    %swap3A_84 = arith.constant 0 : index
    %swap3A_85 = vector.load %arg2[%swap3A_82, %swap3A_83, %swap3A_84] : memref<4x7x5120xf32, #tpu.memory_space<vmem>>, vector<1x7x5120xf32>
    %swap3A_86 = vector.shape_cast %swap3A_85 : vector<1x7x5120xf32> to vector<7x5120xf32>
    %swap3A_87 = vector.shape_cast %pad3A_81 : vector<7x5120xf32> to vector<1x7x5120xf32>
    tpu.vector_store %arg2[%swap3A_82, %swap3A_83, %swap3A_84], %swap3A_87 {strides = array<i32>} : memref<4x7x5120xf32, #tpu.memory_space<vmem>>, vector<1x7x5120xf32>,
    %get3A_88 = arith.constant 2 : index
    %get3A_89 = arith.constant 0 : index
    %get3A_90 = arith.constant 0 : index
    %get3A_91 = vector.load %arg1[%get3A_88, %get3A_89, %get3A_90] : memref<4x5000x85xf32, #tpu.memory_space<vmem>>, vector<1x5000x85xf32>
    %get3A_92 = vector.shape_cast %get3A_91 : vector<1x5000x85xf32> to vector<5000x85xf32>
    %transpose3A_93 = tpu.transpose %get3A_92, [1, 0] : vector<5000x85xf32> -> vector<85x5000xf32>
    %slice3A_94 = vector.extract_strided_slice %transpose3A_93 {offsets = [0, 0], sizes = [1, 5000], strides = [1, 1]} : vector<85x5000xf32> to vector<1x5000xf32>
    %slice3A_95 = vector.extract_strided_slice %transpose3A_93 {offsets = [1, 0], sizes = [1, 5000], strides = [1, 1]} : vector<85x5000xf32> to vector<1x5000xf32>
    %slice3A_96 = vector.extract_strided_slice %transpose3A_93 {offsets = [2, 0], sizes = [1, 5000], strides = [1, 1]} : vector<85x5000xf32> to vector<1x5000xf32>
    %slice3A_97 = vector.extract_strided_slice %transpose3A_93 {offsets = [3, 0], sizes = [1, 5000], strides = [1, 1]} : vector<85x5000xf32> to vector<1x5000xf32>
    %slice3A_98 = vector.extract_strided_slice %transpose3A_93 {offsets = [4, 0], sizes = [1, 5000], strides = [1, 1]} : vector<85x5000xf32> to vector<1x5000xf32>
    %slice3A_99 = vector.extract_strided_slice %transpose3A_93 {offsets = [5, 0], sizes = [80, 5000], strides = [1, 1]} : vector<85x5000xf32> to vector<80x5000xf32>
    %mul3A_100 = vector.broadcast %slice3A_98 : vector<1x5000xf32> to vector<80x5000xf32>
    %mul3A_101 = arith.mulf %mul3A_100, %slice3A_99 : vector<80x5000xf32>
    %reduce_max3A_102 = arith.constant dense<0xFF800000> : vector<5000xf32>
    %reduce_max3A_103 = vector.multi_reduction <maximumf>, %mul3A_101, %reduce_max3A_102 [0] : vector<80x5000xf32> to vector<5000xf32>
    %broadcast_in_dim3A_104 = vector.shape_cast %reduce_max3A_103 : vector<5000xf32> to vector<1x5000xf32>
    %eq3A_105 = vector.broadcast %broadcast_in_dim3A_104 : vector<1x5000xf32> to vector<80x5000xf32>
    %eq3A_106 = arith.cmpf oeq, %mul3A_101, %eq3A_105 : vector<80x5000xf32>
    %iota3A_107 = tpu.iota {dimensions = array<i32: 0>} : vector<80x5000xi32>
    %jit3A_108 = arith.constant 80 : i32
    %broadcast_in_dim3A_109 = vector.broadcast %jit3A_108 : i32 to vector<80x5000xi32>
    %select_n3A_110 = arith.select %eq3A_106, %iota3A_107, %broadcast_in_dim3A_109 : vector<80x5000xi1>, vector<80x5000xi32>
    %reduce_min3A_111 = arith.constant dense<2147483647> : vector<5000xi32>
    %reduce_min3A_112 = vector.multi_reduction <minsi>, %select_n3A_110, %reduce_min3A_111 [0] : vector<80x5000xi32> to vector<5000xi32>
    %broadcast_in_dim3A_113 = vector.shape_cast %reduce_min3A_112 : vector<5000xi32> to vector<1x5000xi32>
    %convert_element_type3A_114 = arith.sitofp %broadcast_in_dim3A_113 : vector<1x5000xi32> to vector<1x5000xf32>
    %ge3A_115 = arith.constant 3.000000e-01 : f32
    %ge3A_116 = vector.broadcast %ge3A_115 : f32 to vector<1x5000xf32>
    %ge3A_117 = arith.cmpf oge, %broadcast_in_dim3A_104, %ge3A_116 : vector<1x5000xf32>
    %jit3A_118 = arith.constant 0.000000e+00 : f32
    %broadcast_in_dim3A_119 = vector.broadcast %jit3A_118 : f32 to vector<1x5000xf32>
    %select_n3A_120 = arith.select %ge3A_117, %broadcast_in_dim3A_104, %broadcast_in_dim3A_119 : vector<1x5000xi1>, vector<1x5000xf32>
    %sub3A_121 = arith.subf %slice3A_96, %slice3A_94 : vector<1x5000xf32>
    %max3A_122 = arith.constant 0.000000e+00 : f32
    %max3A_123 = vector.broadcast %max3A_122 : f32 to vector<1x5000xf32>
    %max3A_124 = arith.maximumf %sub3A_121, %max3A_123 : vector<1x5000xf32>
    %sub3A_125 = arith.subf %slice3A_97, %slice3A_95 : vector<1x5000xf32>
    %max3A_126 = arith.constant 0.000000e+00 : f32
    %max3A_127 = vector.broadcast %max3A_126 : f32 to vector<1x5000xf32>
    %max3A_128 = arith.maximumf %sub3A_125, %max3A_127 : vector<1x5000xf32>
    %mul3A_129 = arith.mulf %max3A_124, %max3A_128 : vector<1x5000xf32>
    %concatenate3A_130 = tpu.concatenate %slice3A_94, %slice3A_95, %slice3A_96, %slice3A_97, %select_n3A_120, %convert_element_type3A_114, %mul3A_129 in 0 : vector<1x5000xf32>, vector<1x5000xf32>, vector<1x5000xf32>, vector<1x5000xf32>, vector<1x5000xf32>, vector<1x5000xf32>, vector<1x5000xf32> -> vector<7x5000xf32>
    %jit3A_131 = arith.constant 0 : i32
    %convert_element_type3A_132 = arith.sitofp %jit3A_131 : i32 to f32
    %pad3A_133 = vector.broadcast %convert_element_type3A_132 : f32 to vector<7x120xf32>
    %pad3A_134 = tpu.concatenate %concatenate3A_130, %pad3A_133 in 1 : vector<7x5000xf32>, vector<7x120xf32> -> vector<7x5120xf32>
    %swap3A_135 = arith.constant 2 : index
    %swap3A_136 = arith.constant 0 : index
    %swap3A_137 = arith.constant 0 : index
    %swap3A_138 = vector.load %arg2[%swap3A_135, %swap3A_136, %swap3A_137] : memref<4x7x5120xf32, #tpu.memory_space<vmem>>, vector<1x7x5120xf32>
    %swap3A_139 = vector.shape_cast %swap3A_138 : vector<1x7x5120xf32> to vector<7x5120xf32>
    %swap3A_140 = vector.shape_cast %pad3A_134 : vector<7x5120xf32> to vector<1x7x5120xf32>
    tpu.vector_store %arg2[%swap3A_135, %swap3A_136, %swap3A_137], %swap3A_140 {strides = array<i32>} : memref<4x7x5120xf32, #tpu.memory_space<vmem>>, vector<1x7x5120xf32>,
    %get3A_141 = arith.constant 3 : index
    %get3A_142 = arith.constant 0 : index
    %get3A_143 = arith.constant 0 : index
    %get3A_144 = vector.load %arg1[%get3A_141, %get3A_142, %get3A_143] : memref<4x5000x85xf32, #tpu.memory_space<vmem>>, vector<1x5000x85xf32>
    %get3A_145 = vector.shape_cast %get3A_144 : vector<1x5000x85xf32> to vector<5000x85xf32>
    %transpose3A_146 = tpu.transpose %get3A_145, [1, 0] : vector<5000x85xf32> -> vector<85x5000xf32>
    %slice3A_147 = vector.extract_strided_slice %transpose3A_146 {offsets = [0, 0], sizes = [1, 5000], strides = [1, 1]} : vector<85x5000xf32> to vector<1x5000xf32>
    %slice3A_148 = vector.extract_strided_slice %transpose3A_146 {offsets = [1, 0], sizes = [1, 5000], strides = [1, 1]} : vector<85x5000xf32> to vector<1x5000xf32>
    %slice3A_149 = vector.extract_strided_slice %transpose3A_146 {offsets = [2, 0], sizes = [1, 5000], strides = [1, 1]} : vector<85x5000xf32> to vector<1x5000xf32>
    %slice3A_150 = vector.extract_strided_slice %transpose3A_146 {offsets = [3, 0], sizes = [1, 5000], strides = [1, 1]} : vector<85x5000xf32> to vector<1x5000xf32>
    %slice3A_151 = vector.extract_strided_slice %transpose3A_146 {offsets = [4, 0], sizes = [1, 5000], strides = [1, 1]} : vector<85x5000xf32> to vector<1x5000xf32>
    %slice3A_152 = vector.extract_strided_slice %transpose3A_146 {offsets = [5, 0], sizes = [80, 5000], strides = [1, 1]} : vector<85x5000xf32> to vector<80x5000xf32>
    %mul3A_153 = vector.broadcast %slice3A_151 : vector<1x5000xf32> to vector<80x5000xf32>
    %mul3A_154 = arith.mulf %mul3A_153, %slice3A_152 : vector<80x5000xf32>
    %reduce_max3A_155 = arith.constant dense<0xFF800000> : vector<5000xf32>
    %reduce_max3A_156 = vector.multi_reduction <maximumf>, %mul3A_154, %reduce_max3A_155 [0] : vector<80x5000xf32> to vector<5000xf32>
    %broadcast_in_dim3A_157 = vector.shape_cast %reduce_max3A_156 : vector<5000xf32> to vector<1x5000xf32>
    %eq3A_158 = vector.broadcast %broadcast_in_dim3A_157 : vector<1x5000xf32> to vector<80x5000xf32>
    %eq3A_159 = arith.cmpf oeq, %mul3A_154, %eq3A_158 : vector<80x5000xf32>
    %iota3A_160 = tpu.iota {dimensions = array<i32: 0>} : vector<80x5000xi32>
    %jit3A_161 = arith.constant 80 : i32
    %broadcast_in_dim3A_162 = vector.broadcast %jit3A_161 : i32 to vector<80x5000xi32>
    %select_n3A_163 = arith.select %eq3A_159, %iota3A_160, %broadcast_in_dim3A_162 : vector<80x5000xi1>, vector<80x5000xi32>
    %reduce_min3A_164 = arith.constant dense<2147483647> : vector<5000xi32>
    %reduce_min3A_165 = vector.multi_reduction <minsi>, %select_n3A_163, %reduce_min3A_164 [0] : vector<80x5000xi32> to vector<5000xi32>
    %broadcast_in_dim3A_166 = vector.shape_cast %reduce_min3A_165 : vector<5000xi32> to vector<1x5000xi32>
    %convert_element_type3A_167 = arith.sitofp %broadcast_in_dim3A_166 : vector<1x5000xi32> to vector<1x5000xf32>
    %ge3A_168 = arith.constant 3.000000e-01 : f32
    %ge3A_169 = vector.broadcast %ge3A_168 : f32 to vector<1x5000xf32>
    %ge3A_170 = arith.cmpf oge, %broadcast_in_dim3A_157, %ge3A_169 : vector<1x5000xf32>
    %jit3A_171 = arith.constant 0.000000e+00 : f32
    %broadcast_in_dim3A_172 = vector.broadcast %jit3A_171 : f32 to vector<1x5000xf32>
    %select_n3A_173 = arith.select %ge3A_170, %broadcast_in_dim3A_157, %broadcast_in_dim3A_172 : vector<1x5000xi1>, vector<1x5000xf32>
    %sub3A_174 = arith.subf %slice3A_149, %slice3A_147 : vector<1x5000xf32>
    %max3A_175 = arith.constant 0.000000e+00 : f32
    %max3A_176 = vector.broadcast %max3A_175 : f32 to vector<1x5000xf32>
    %max3A_177 = arith.maximumf %sub3A_174, %max3A_176 : vector<1x5000xf32>
    %sub3A_178 = arith.subf %slice3A_150, %slice3A_148 : vector<1x5000xf32>
    %max3A_179 = arith.constant 0.000000e+00 : f32
    %max3A_180 = vector.broadcast %max3A_179 : f32 to vector<1x5000xf32>
    %max3A_181 = arith.maximumf %sub3A_178, %max3A_180 : vector<1x5000xf32>
    %mul3A_182 = arith.mulf %max3A_177, %max3A_181 : vector<1x5000xf32>
    %concatenate3A_183 = tpu.concatenate %slice3A_147, %slice3A_148, %slice3A_149, %slice3A_150, %select_n3A_173, %convert_element_type3A_167, %mul3A_182 in 0 : vector<1x5000xf32>, vector<1x5000xf32>, vector<1x5000xf32>, vector<1x5000xf32>, vector<1x5000xf32>, vector<1x5000xf32>, vector<1x5000xf32> -> vector<7x5000xf32>
    %jit3A_184 = arith.constant 0 : i32
    %convert_element_type3A_185 = arith.sitofp %jit3A_184 : i32 to f32
    %pad3A_186 = vector.broadcast %convert_element_type3A_185 : f32 to vector<7x120xf32>
    %pad3A_187 = tpu.concatenate %concatenate3A_183, %pad3A_186 in 1 : vector<7x5000xf32>, vector<7x120xf32> -> vector<7x5120xf32>
    %swap3A_188 = arith.constant 3 : index
    %swap3A_189 = arith.constant 0 : index
    %swap3A_190 = arith.constant 0 : index
    %swap3A_191 = vector.load %arg2[%swap3A_188, %swap3A_189, %swap3A_190] : memref<4x7x5120xf32, #tpu.memory_space<vmem>>, vector<1x7x5120xf32>
    %swap3A_192 = vector.shape_cast %swap3A_191 : vector<1x7x5120xf32> to vector<7x5120xf32>
    %swap3A_193 = vector.shape_cast %pad3A_187 : vector<7x5120xf32> to vector<1x7x5120xf32>
    tpu.vector_store %arg2[%swap3A_188, %swap3A_189, %swap3A_190], %swap3A_193 {strides = array<i32>} : memref<4x7x5120xf32, #tpu.memory_space<vmem>>, vector<1x7x5120xf32>,
    return
  }
  func.func @transform_0(%arg0: i32) -> (i32, i32, i32) {
    %c0_i32 = arith.constant 0 : i32
    %c0_i32_0 = arith.constant 0 : i32
    %c0_i32_1 = arith.constant 0 : i32
    return %arg0, %c0_i32, %c0_i32_0 : i32, i32, i32
  }
  func.func @transform_1(%arg0: i32) -> (i32, i32, i32) {
    %c0_i32 = arith.constant 0 : i32
    %c0_i32_0 = arith.constant 0 : i32
    %c0_i32_1 = arith.constant 0 : i32
    return %arg0, %c0_i32, %c0_i32_0 : i32, i32, i32
  }
}

</mosaic_0001>

<sc_bundles>
// kernel: kernel.4.cloned.1.call-start
scs
__scs_entry_jumppad:
0x0: {  	(pc) =	sbr.rel $0x88, $3  }
0x1: {  	(tag) =	ssettag $0x0;
	lr =	simm.s32 $0x1  }
0x2: {  	[smem:$0x3FA0] =	sst lr;
	_ =	strace $0xD0000000  }
0x3: {  	_ = 	snop  }
0x4: {  	_ = 	snop  }
0x5: {  	_ = 	snop  }
0x6: {  	_ = 	snop  }
0x7: {  	_ = 	snop  }
__scs_overlays_trampoline_lowered:
0x8: {  	[smem:$0x3FAF] =	sst s0  }
0x9: {  	[smem:$0x3FB0] =	sst s1  }
0xa: {  	[smem:$0x3FB1] =	sst s2  }
0xb: {  	[smem:$0x3FB2] =	sst s3  }
0xc: {  	[smem:$0x3FB3] =	sst s4  }
0xd: {  	[smem:$0x3FB4] =	sst s5  }
0xe: {  	[smem:$0x3FB5] =	sst s6  }
0xf: {  	[smem:$0x3FB6] =	sst s7  }
0x10: {  	[smem:$0x3FB7] =	sst s8  }
0x11: {  	[smem:$0x3FB8] =	sst s9;
	s0 =	simm.s32 @!p0 $0x0  }
0x12: {  	s1 =	sld [smem:$0x3F9E];
	s0 =	simm.s32 @p0 $0x1  }
0x13: {  	[smem:$0x3FB9] =	sst s0;
	s0 =	simm.s32 @!p1 $0x0  }
0x14: {  	s2 =	sld [smem:$0x3F9D];
	s0 =	simm.s32 @p1 $0x1  }
0x15: {  	[smem:$0x3FBA] =	sst s0;
	s0 =	simm.s32 @!p2 $0x0  }
0x16: {  	s3 =	sld [smem:$0x3FDB];
	s0 =	simm.s32 @p2 $0x1  }
0x17: {  	s4 =	simm.s32 $0x1BF5;
	[smem:$0x3FBC] =	sst s0  }
0x18: {  	s0 =	sld [smem:$0x3F9F];
	_ =	swait.ge [sflag:s4], $0x0  }
0x19: {  	s7 =	sld [smem:$0x3FA0]  }
0x1a: {  	s8 =	sadd.s32 $0xFFFFE003, lr  }
0x1b: {  	s9 =	sadd.s32 $0xFFFFFEF7, lr;
	s5 =	simm.s32 $0xFFFFFFFF;
	p2 =	slt.u32 s8, $0xFFFFF086  }
0x1c: {  	p1 =	slt.u32 s9, $0xF7A;
	s5 =	simm.s32 @!p2 $0x0  }
0x1d: {  	s5 =	simm.s32 @p1 $0x1;
	p0 =	seq.s32 s7, s2  }
0x1e: {  	s7 =	smul.u32 @!p0 $0xF7A, s2;
	p2 =	seq.s32 @!p0 s5, $0x0  }
0x1f: {  	s9 =	smul.u32 $0xF7A, s1;
	s8 =	simm.s32 @!p0 $0x1BF5;
	p2 =	por !p2, p0  }
0x20: {  	[sflag:s8] =	ssyncset.s32 @!p0 $0xFFFFF086;
	s6 =	sadd.s32 @!p0 s3, s7;
	s7 =	simm.s32 @!p0 $0x108  }
0x21: {  	s3 =	sadd.s32 s3, s9;
	s6 =	sadd.s32 @!p0 $0x88, s6;
	s7 =	simm.s32 @p2 $0x1082  }
0x22: {  	[simem:s7], [sflag:s8] =	dma.local @!p0 [hbm:s6], $0xF7A  }
0x23: {  	s9 =	sor.u32 $0xD0000000, s2;
	s6 =	simm.s32 $0x108;
	_ =	swait.ge @!p0 [sflag:s8], $0x0  }
0x24: {  	s3 =	sadd.s32 $0x88, s3;
	s6 =	simm.s32 @!p1 $0x1082;
	[sflag:s4] =	ssyncset.s32 $0xFFFFF086  }
0x25: {  	[simem:s6], [sflag:s4] =	dma.local [hbm:s3], $0xF7A  }
0x26: {  	[smem:$0x3FA0] =	sst s1;
	(tag) =	ssettag s2;
	_ =	strace s9  }
0x27: {  	s1 =	sld [smem:$0x3FB0]  }
0x28: {  	s2 =	sld [smem:$0x3FB1]  }
0x29: {  	s4 =	sld [smem:$0x3FB3]  }
0x2a: {  	p0 =	seq.s32 s5, $0x0;
	s5 =	sld [smem:$0x3FB4]  }
0x2b: {  	s6 =	sld [smem:$0x3FB5]  }
0x2c: {  	s7 =	sld [smem:$0x3FB6]  }
0x2d: {  	s3 =	simm.s32 $0x108;
	s8 =	sld [smem:$0x3FB7]  }
0x2e: {  	s3 =	simm.s32 @!p0 $0x1082;
	s9 =	sld [smem:$0x3FB8]  }
0x2f: {  	lr =	sadd.s32 s0, s3;
	s0 =	sld [smem:$0x3FAF]  }
0x30: {  	s3 =	sld [smem:$0x3FB2]  }
0x31: {  	[smem:$0x3FBB] =	sst s10  }
0x32: {  	s10 =	sld [smem:$0x3FB9];
	_ =	sdelay $0x3  }
0x33: {  	p0 =	seq.s32 s10, $0x1;
	s10 =	sld [smem:$0x3FBB];
	_ =	sdelay $0x3  }
0x34: {  	[smem:$0x3FBB] =	sst s10  }
0x35: {  	s10 =	sld [smem:$0x3FBA];
	_ =	sdelay $0x3  }
0x36: {  	p1 =	seq.s32 s10, $0x1;
	s10 =	sld [smem:$0x3FBB];
	_ =	sdelay $0x3  }
0x37: {  	[smem:$0x3FBB] =	sst s10  }
0x38: {  	s10 =	sld [smem:$0x3FBC]  }
0x39: {  	_ = 	snop;
	(pc) =	sbr.ind lr, $3  }
0x3a: {  	_ = 	snop  }
0x3b: {  	_ = 	snop  }
0x3c: {  	p2 =	seq.s32 s10, $0x1;
	s10 =	sld [smem:$0x3FBB]  }
0x3d: {  	_ =	shalt  }
0x3e: {  	_ =	shalt  }
0x3f: {  	_ =	shalt  }
0x40: {  	_ =	shalt  }
0x41: {  	_ =	shalt  }
0x42: {  	_ =	shalt  }
0x43: {  	_ =	shalt  }
0x44: {  	_ =	shalt  }
0x45: {  	_ =	shalt  }
0x46: {  	_ =	shalt  }
0x47: {  	_ =	shalt  }
0x48: {  	_ =	shalt  }
0x49: {  	_ =	shalt  }
0x4a: {  	_ =	shalt  }
0x4b: {  	_ =	shalt  }
0x4c: {  	_ =	shalt  }
0x4d: {  	_ =	shalt  }
0x4e: {  	_ =	shalt  }
0x4f: {  	_ =	shalt  }
0x50: {  	_ =	shalt  }
0x51: {  	_ =	shalt  }
0x52: {  	_ =	shalt  }
0x53: {  	_ =	shalt  }
0x54: {  	_ =	shalt  }
0x55: {  	_ =	shalt  }
0x56: {  	_ =	shalt  }
0x57: {  	_ =	shalt  }
0x58: {  	_ =	shalt  }
0x59: {  	_ =	shalt  }
0x5a: {  	_ =	shalt  }
0x5b: {  	_ =	shalt  }
0x5c: {  	_ =	shalt  }
0x5d: {  	_ =	shalt  }
0x5e: {  	_ =	shalt  }
0x5f: {  	_ =	shalt  }
0x60: {  	_ =	shalt  }
0x61: {  	_ =	shalt  }
0x62: {  	_ =	shalt  }
0x63: {  	_ =	shalt  }
0x64: {  	_ =	shalt  }
0x65: {  	_ =	shalt  }
0x66: {  	_ =	shalt  }
0x67: {  	_ =	shalt  }
0x68: {  	_ =	shalt  }
0x69: {  	_ =	shalt  }
0x6a: {  	_ =	shalt  }
0x6b: {  	_ =	shalt  }
0x6c: {  	_ =	shalt  }
0x6d: {  	_ =	shalt  }
0x6e: {  	_ =	shalt  }
0x6f: {  	_ =	shalt  }
0x70: {  	_ =	shalt  }
0x71: {  	_ =	shalt  }
0x72: {  	_ =	shalt  }
0x73: {  	_ =	shalt  }
0x74: {  	_ =	shalt  }
0x75: {  	_ =	shalt  }
0x76: {  	_ =	shalt  }
0x77: {  	_ =	shalt  }
0x78: {  	_ =	shalt  }
0x79: {  	_ =	shalt  }
0x7a: {  	_ =	shalt  }
0x7b: {  	_ =	shalt  }
0x7c: {  	_ =	shalt  }
0x7d: {  	_ =	shalt  }
0x7e: {  	_ =	shalt  }
0x7f: {  	_ =	shalt  }
0x80: {  	_ =	shalt  }
0x81: {  	_ =	shalt  }
0x82: {  	_ =	shalt  }
0x83: {  	_ =	shalt  }
0x84: {  	_ =	shalt  }
0x85: {  	_ =	shalt  }
0x86: {  	_ =	shalt  }
0x87: {  	_ =	shalt  }
.Lfunc_end0:
.L_simem_size_0:
called_computation_lowered:
.L_overlay_start_0:
0x88: {  	s2 =	sld [smem:$0x3FD9]  }
0x89: {  	s3 =	sld [smem:$0x3FFE];
	_ =	sdelay $0x1  }
0x8a: {  	s1 =	srdreg.scid  }
0x8b: {  	s0 =	sand.u32 $0x1, s1  }
0x8c: {  	s17 =	sshll.u32 s0, $0xA;
	s2 =	sadd.s32 s3, s2  }
0x8d: {  	s2 =	sadd.s32 s2, s17  }
0x8e: {  	[smem:$0x3FC7] =	sst s2  }
0x8f: {  	_ = 	snop  }
0x90: {  	s2 =	sld [smem:$0x3FD0];
	(tm) =	ssettm $0x1  }
0x91: {  	s18 =	sld [smem:$0x3FFB];
	_ =	sdelay $0x3  }
0x92: {  	_ =	strace s18  }
0x93: {  	s3 =	sld [smem:$0x3FFC];
	_ =	sdelay $0x3  }
0x94: {  	_ =	strace s3  }
0x95: {  	s3 =	sld [smem:$0x3FFD];
	_ =	sdelay $0x3  }
0x96: {  	_ =	strace s3  }
0x97: {  	_ =	strace $0x8FFFFFFF  }
0x98: {  	s19 =	sld [smem:$0x3FDB];
	_ =	sdelay $0x1  }
0x99: {  	s4 =	simm.s32 $_scs_section_size  }
0x9a: {  	s5 =	simm.s32 $_size__tile_overlayer_lowered;
	s6 =	simm.s32 $_tile_overlayer_lowered  }
0x9b: {  	s22 =	simm.s32 $0x1BFF;
	s21 =	sshll.u32 s6, $0x1;
	s3 =	sadd.s32 s4, s19  }
0x9c: {  	s7 =	simm.s32 $0x0;
	s20 =	sshll.u32 s5, $0x1;
	s5 =	sadd.s32 s21, s3  }
0x9d: {  	[timem:s7], [sflag:s22] =	dma.local [hbm:s5], s20  }
0x9e: {  	_ =	swait.ge [sflag:s22], s20  }
0x9f: {  	s4 =	ssub.s32 $0x0, s20;
	[sflag:s22] =	ssyncset.done $0x0  }
0xa0: {  	[sflag:s22] =	ssyncadd.s32 s4;
	_ =	sdelay $0x1  }
0xa1: {  	s23 =	simm.s32 $0x1B8B  }
0xa2: {  	_ =	swait.ge [sflag:s23], $0x1  }
0xa3: {  	[sflag:s23] =	ssyncset.done $0x0  }
0xa4: {  	s25 =	simm.s32 $0x1B8E;
	s24 =	sld [smem:$0x3FFE];
	[sflag:s23] =	ssyncadd.s32 $0xFFFFFFFF  }
0xa5: {  	s26 =	simm.s32 $execute0_lowered;
	[smem:$0x3FD2] =	sst s25  }
0xa6: {  	s5 =	sshll.u32 s26, $0x1;
	_ =	strace $0x80000046;
	[dreg:$0x1] =	wrdreg $0xFFFFFFFF  }
0xa7: {  	s28 =	simm.s32 $_size_execute0_lowered;
	s3 =	sadd.s32 s3, s5;
	[dreg:$0x0] =	wrdreg $0x0  }
0xa8: {  	s5 =	sshll.u32 s28, $0x1;
	[dreg:$0x2] =	wrdreg s3  }
0xa9: {  	[dreg:$0x3] =	wrdreg s5  }
0xaa: {  	[dreg:$0x4] =	wrdreg $0xC0  }
0xab: {  	_ =	task [dreg:s7], $0x5FFFF  }
0xac: {  	[dreg:$0x1] =	wrdreg $0xFFFFFFFF  }
0xad: {  	[dreg:$0x0] =	wrdreg $0x60  }
0xae: {  	[dreg:$0x2] =	wrdreg s24  }
0xaf: {  	[dreg:$0x3] =	wrdreg s2  }
0xb0: {  	[dreg:$0x4] =	wrdreg $0x9  }
0xb1: {  	_ =	task.clear_ibuf [dreg:s7], $0x5FFFF;
	_ =	strace $0x90000046  }
0xb2: {  	s29 =	simm.s32 $0x9;
	_ =	strace $0x80000048  }
0xb3: {  	_ =	swait.ge [sflag:s29], $0x1  }
0xb4: {  	[sflag:s29] =	ssyncadd.s32 $0xFFFFFFFF  }
0xb5: {  	_ =	strace $0x90000048  }
0xb6: {  	_ =	sfence  }
0xb7: {  	s30 =	sld [smem:$0x0];
	_ =	sdelay $0x2  }
0xb8: {  	s31 =	sshll.u32 s1, $0xD;
	s1 =	sshrl.u32 s1, $0x2  }
0xb9: {  	s3 =	sand.u32 $0x4000, s31;
	s1 =	sadd.s32 s1, s30  }
0xba: {  	s0 =	sor.u32 s3, s0;
	s1 =	sshll.u32 s1, $0x11  }
0xbb: {  	s0 =	sor.u32 s1, s0  }
0xbc: {  	s0 =	sadd.s32 $0x8F2B, s0  }
0xbd: {  	[sflag:s0] =	ssyncadd.remote.s32 $0x1  }
0xbe: {  	_ =	sfence.sel $0xFFFF  }
0xbf: {  	[dreg:$0x0] =	wrdreg $0xFFFFFFFF;
	(pc) =	sbr.abs _section_cstart, $3  }
0xc0: {  	[dreg:$0x1] =	wrdreg $0xFFFFFFFF  }
0xc1: {  	_ =	task.clear_ibuf [dreg:s7], $0x2FFFF;
	_ =	strace $0x9FFFFFFF  }
0xc2: {  	(tm) =	ssettm $0x7FFFFFFF  }
0xc3: {  	_ =	shalt  }
tec
execute0_lowered:
.L_overlay_start_1:
0x0: {  	(tag) =	ssettag $0x1  }
0x1: {  	s1 =	stileid.u32  }
0x2: {  	p0 =	sgt.u32 s1, $0x7  }
.Ltmp0:
0x3: {  	_ = 	snop;
	(pc) =	sbr.rel @p0 .LBB2_7-.Ltmp0, $4  }
0x4: {  	s4 =	rddreg [dreg:$0x0]  }
0x5: {  	s3 =	rddreg [dreg:$0x1];
	s2 =	simm.s32 $0x0  }
0x6: {  	[smem:$0x7FF] =	sst s2  }
0x7: {  	s0 =	rddreg [dreg:$0x2];
	_ =	strace $0x80000047  }
0x8: {  	v0 =	vimm.s32 $0xFEDCBA98;
	v1 =	vimm.s32 $0x76543210;
	v2 =	vimm.s32 $0xBA98FEDC  }
0x9: {  	v3 =	vimm.s32 $0x32107654;
	v4 =	vimm.s32 $0xDCFE98BA;
	v5 =	vimm.s32 $0x54761032  }
0xa: {  	v6 =	vimm.s32 $0xEFCDAB89;
	v7 =	vimm.s32 $0x67452301;
	vm0 =	vmxor vm0, vm0  }
0xb: {  	vm1 =	vmmov $0x1;
	vm2 =	vcmask $0x318;
	vm3 =	vcmask $0x718  }
0xc: {  	vm4 =	vcmask $0xB18;
	vm5 =	vcmask $0xF18;
	vm6 =	vcmask $0x1318  }
0xd: {  	s5 =	srdreg.scid;
	s6 =	sshll.u32 s1, $0x1;
	v0 =	vunpack.c.l.s4.s8 v0;
	v1 =	vunpack.c.l.s4.s8 v1;
	v2 =	vunpack.c.l.s4.s8 v2  }
0xe: {  	s7 =	sshll.u32 s1, $0x6;
	s4 =	sadd.s32 $0x600, s4;
	s9 =	simm.s32 $0xA080;
	v3 =	vunpack.c.l.s4.s8 v3;
	v4 =	vunpack.c.l.s4.s8 v4;
	v5 =	vunpack.c.l.s4.s8 v5  }
0xf: {  	s10 =	simm.s32 $0xA480;
	s11 =	simm.s32 $0x80;
	s12 =	simm.s32 $0x400;
	v6 =	vunpack.c.l.s4.s8 v6;
	v7 =	vunpack.c.l.s4.s8 v7;
	v0 =	vunpack.c.0.s8.s32 v0  }
0x10: {  	s13 =	simm.s32 $0x0;
	s5 =	sand.u32 $0x1, s5;
	s7 =	sand.u32 $0x100, s7;
	v2 =	vunpack.c.0.s8.s32 v2;
	v3 =	vunpack.c.0.s8.s32 v3;
	v4 =	vunpack.c.0.s8.s32 v4  }
.Ltmp1:
0x11: {  	s6 =	sor.u32 s5, s6;
	s5 =	ssub.s32 $0x2, s5;
	v5 =	vunpack.c.0.s8.s32 v5;
	v6 =	vunpack.c.0.s8.s32 v6;
	v7 =	vunpack.c.0.s8.s32 v7;
	(pc) =	sbr.rel .LBB2_2-.Ltmp1, $4  }
0x12: {  	vm7 =	vmmov $0x3f;
	s3 =	sadd.s32 s3, s7;
	v1 =	vunpack.c.0.s8.s32 v1;
	s8 =	sshll.u32 s6, $0x4;
	s6 =	smul.u32 $0x1400, s6;
	v2 =	vcombine.low v3, v2  }
0x13: {  	s7 =	simm.s32 $0xA580;
	s31 =	sshrl.u32 s5, $0x1;
	s8 =	sand.u32 $0x70, s8;
	v3 =	vcombine.low v5, v4;
	v4 =	vand.u32 $0xF, v0;
	v5 =	vcombine.low v7, v6  }
0x14: {  	s5 =	ssub.s32 s5, s31;
	v0 =	vimm.f32 $0.0e+00;
	s3 =	sadd.s32 s8, s3;
	s4 =	sadd.s32 s4, s6;
	v1 =	vcombine.low v4, v1;
	v2 =	vand.u32 $0xF, v2  }
0x15: {  	s5 =	smax.u32 s5, $0x1;
	s6 =	simm.s32 $0x1;
	s8 =	simm.s32 $0xA000;
	v3 =	vand.u32 $0xF, v3;
	v4 =	vand.u32 $0xF, v5;
	v5 =	vlaneseq.u32  }
.LBB2_6:
0x16: {  	s13 =	sadd.s32 $0x1, s13  }
0x17: {  	p0 =	sne.s32 s13, s5  }
.Ltmp2:
0x18: {  	_ = 	snop;
	(pc) =	sbr.rel @!p0 .LBB2_7-.Ltmp2, $4  }
0x19: {  	[hbm4b:s3+s11] =	stream.strided.scatter [tilespmem:s10], [sflag:$0x1], $0x100, s12, s11, $0x38;
	[tilespmem:$0xA600] =	vst v63  }
0x1a: {  	_ =	swait.ge [sflag:s6], $0x100  }
0x1b: {  	[sflag:s6] =	ssyncset.done $0x0  }
0x1c: {  	[sflag:s6] =	ssyncadd.s32 $0xFFFFFF00  }
.LBB2_2:
0x1d: {  	s16 =	simm.s32 $0x0  }
0x1e: {  	[tilespmem:s16], [sflag:$0x1] =	stream.linear.gather [hbm4b:s4+s16], $0xA000, $0x38;
	[tilespmem:$0xA600] =	vst v63  }
0x1f: {  	_ =	swait.ge [sflag:s6], $0xA000  }
0x20: {  	[sflag:s6] =	ssyncset.done $0x0  }
0x21: {  	[sflag:s6] =	ssyncadd.s32 $0xFFFF6000  }
0x22: {  	[tilespmem:$0xA480] =	vst v0  }
0x23: {  	[tilespmem:$0xA490] =	vst v0  }
0x24: {  	[tilespmem:$0xA4A0] =	vst v0  }
0x25: {  	[tilespmem:$0xA4B0] =	vst v0  }
0x26: {  	[tilespmem:$0xA4C0] =	vst v0  }
0x27: {  	[tilespmem:$0xA4D0] =	vst v0  }
0x28: {  	[tilespmem:$0xA4E0] =	vst v0  }
0x29: {  	[tilespmem:$0xA4F0] =	vst v0  }
0x2a: {  	[tilespmem:$0xA500] =	vst v0  }
0x2b: {  	[tilespmem:$0xA510] =	vst v0  }
0x2c: {  	[tilespmem:$0xA520] =	vst v0  }
0x2d: {  	[tilespmem:$0xA530] =	vst v0  }
0x2e: {  	[tilespmem:$0xA540] =	vst v0  }
0x2f: {  	[tilespmem:$0xA550] =	vst v0  }
0x30: {  	[tilespmem:$0xA560] =	vst v0  }
0x31: {  	[tilespmem:$0xA570] =	vst v0  }
0x32: {  	s14 =	simm.s32 $0x270;
	[tilespmem:$0xA020] =	vst v0  }
0x33: {  	v6 =	vld [tilespmem:s14+$0xFFFFFF90]  }
0x34: {  	v7 =	vld [tilespmem:s14+$0xFFFFFFA0]  }
0x35: {  	v8 =	vld [tilespmem:s14+$0xFFFFFFB0]  }
0x36: {  	v9 =	vld [tilespmem:s14+$0xFFFFFFC0]  }
0x37: {  	v10 =	vld [tilespmem:s14+$0xFFFFFFD0]  }
0x38: {  	v11 =	vld [tilespmem:s14+$0xFFFFFFE0]  }
0x39: {  	v6 =	vmax.f32 v6, v7;
	v7 =	vld [tilespmem:s14+$0xFFFFFFF0]  }
0x3a: {  	v6 =	vmax.f32 v6, v8;
	v8 =	vld [tilespmem:s14+$0x0]  }
0x3b: {  	v6 =	vmax.f32 v6, v9  }
0x3c: {  	v6 =	vmax.f32 v6, v10  }
0x3d: {  	v6 =	vmax.f32 v6, v11  }
0x3e: {  	v6 =	vmax.f32 v6, v7  }
0x3f: {  	v6 =	vmax.f32 v6, v8  }
0x40: {  	[tilespmem:$0xA580] =	vst v6  }
0x41: {  	v7 =	vld.idx.msk [tilespmem:v1+s7+$0x0], $0xffff;
	_ =	sdelay $0x4  }
0x42: {  	v6 =	vmax.f32 v6, v7  }
0x43: {  	[tilespmem:$0xA580] =	vst v6  }
0x44: {  	v7 =	vld.idx.msk [tilespmem:v2+s7+$0x0], $0xffff;
	_ =	sdelay $0x4  }
0x45: {  	v6 =	vmax.f32 v6, v7  }
0x46: {  	[tilespmem:$0xA580] =	vst v6  }
0x47: {  	v7 =	vld.idx.msk [tilespmem:v3+s7+$0x0], $0xffff;
	_ =	sdelay $0x4  }
0x48: {  	v7 =	vmax.f32 v6, v7  }
0x49: {  	[tilespmem:$0xA580] =	vst v7  }
0x4a: {  	v8 =	vld.idx.msk [tilespmem:v4+s7+$0x0], $0xffff;
	_ =	sdelay $0x1  }
0x4b: {  	v6 =	vmov s16;
	_ =	sdelay $0x2  }
0x4c: {  	s15 =	simm.s32 $0x1;
	v7 =	vmax.f32 v7, v8  }
.LBB2_3:
0x4d: {  	p0 =	sne.s32 s15, $0x27  }
0x4e: {  	[tilespmem:v6+s8+$0x0] =	vst.idx.msk $0x1, v7;
	s14 =	sadd.s32 $0x400, s14;
	s16 =	smov.u32 s15;
	s15 =	sadd.s32 $0x1, s15  }
0x4f: {  	v6 =	vld [tilespmem:s14+$0xFFFFFF90]  }
0x50: {  	v7 =	vld [tilespmem:s14+$0xFFFFFFA0]  }
0x51: {  	v8 =	vld [tilespmem:s14+$0xFFFFFFB0]  }
0x52: {  	v9 =	vld [tilespmem:s14+$0xFFFFFFC0]  }
0x53: {  	v10 =	vld [tilespmem:s14+$0xFFFFFFD0]  }
0x54: {  	v11 =	vld [tilespmem:s14+$0xFFFFFFE0]  }
0x55: {  	v6 =	vmax.f32 v6, v7;
	v7 =	vld [tilespmem:s14+$0xFFFFFFF0]  }
0x56: {  	v6 =	vmax.f32 v6, v8;
	v8 =	vld [tilespmem:s14+$0x0]  }
0x57: {  	v6 =	vmax.f32 v6, v9  }
0x58: {  	v6 =	vmax.f32 v6, v10  }
0x59: {  	v6 =	vmax.f32 v6, v11  }
0x5a: {  	v6 =	vmax.f32 v6, v7  }
0x5b: {  	v6 =	vmax.f32 v6, v8  }
0x5c: {  	[tilespmem:$0xA580] =	vst v6  }
0x5d: {  	v7 =	vld.idx.msk [tilespmem:v1+s7+$0x0], $0xffff;
	_ =	sdelay $0x5  }
0x5e: {  	v6 =	vmax.f32 v6, v7  }
0x5f: {  	[tilespmem:$0xA580] =	vst v6  }
0x60: {  	v7 =	vld.idx.msk [tilespmem:v2+s7+$0x0], $0xffff;
	_ =	sdelay $0x5  }
0x61: {  	v6 =	vmax.f32 v6, v7  }
0x62: {  	[tilespmem:$0xA580] =	vst v6  }
0x63: {  	v7 =	vld.idx.msk [tilespmem:v3+s7+$0x0], $0xffff;
	_ =	sdelay $0x5  }
0x64: {  	v7 =	vmax.f32 v6, v7  }
0x65: {  	[tilespmem:$0xA580] =	vst v7  }
0x66: {  	v8 =	vld.idx.msk [tilespmem:v4+s7+$0x0], $0xffff;
	_ =	sdelay $0x1  }
.Ltmp3:
0x67: {  	v6 =	vmov s16;
	(pc) =	sbr.rel @p0 .LBB2_3-.Ltmp3, $2  }
0x68: {  	_ =	sdelay $0x2  }
0x69: {  	v7 =	vmax.f32 v7, v8  }
0x6a: {  	_ =	sdelay $0x3  }
0x6b: {  	[tilespmem:v6+s8+$0x0] =	vst.idx.msk $0x1, v7  }
0x6c: {  	v6 =	vld [tilespmem:$0xA000]  }
0x6d: {  	v7 =	vld [tilespmem:$0xA010]  }
0x6e: {  	v8 =	vld [tilespmem:$0xA020];
	_ =	sdelay $0x3  }
0x6f: {  	v6 =	vmax.f32 v6, v7  }
0x70: {  	v6 =	vmax.f32 v6, v8  }
0x71: {  	[tilespmem:$0xA580] =	vst v6  }
0x72: {  	v7 =	vld.idx.msk [tilespmem:v1+s7+$0x0], $0xffff;
	_ =	sdelay $0x4  }
0x73: {  	v6 =	vmax.f32 v6, v7  }
0x74: {  	[tilespmem:$0xA580] =	vst v6  }
0x75: {  	v7 =	vld.idx.msk [tilespmem:v2+s7+$0x0], $0xffff;
	_ =	sdelay $0x4  }
0x76: {  	v6 =	vmax.f32 v6, v7  }
0x77: {  	[tilespmem:$0xA580] =	vst v6  }
0x78: {  	v7 =	vld.idx.msk [tilespmem:v3+s7+$0x0], $0xffff;
	_ =	sdelay $0x4  }
0x79: {  	v6 =	vmax.f32 v6, v7  }
0x7a: {  	[tilespmem:$0xA580] =	vst v6  }
0x7b: {  	v7 =	vld.idx.msk [tilespmem:v4+s7+$0x0], $0xffff;
	_ =	sdelay $0x4  }
0x7c: {  	v6 =	vmax.f32 v6, v7  }
0x7d: {  	(v2sf) =	vpush v6, $0x0;
	_ =	sdelay $0xe  }
0x7e: {  	s16 =	spop (v2sf)  }
0x7f: {  	p0 =	sgt.f32 s16, $0.0e+00  }
.Ltmp4:
0x80: {  	_ = 	snop;
	(pc) =	sbr.rel @!p0 .LBB2_6-.Ltmp4, $2  }
0x81: {  	_ =	sdelay $0x2  }
0x82: {  	s14 =	simm.s32 $0x0  }
.LBB2_5:
0x83: {  	v6 =	vld [tilespmem:$0xA000]  }
0x84: {  	v7 =	vld [tilespmem:$0xA010]  }
0x85: {  	v8 =	vld [tilespmem:$0xA020];
	_ =	sdelay $0x2  }
0x86: {  	vm8 =	veq.f32 v6, s16  }
0x87: {  	v6 =	vmctz.xlane vm8;
	vm8 =	veq.f32 v7, s16  }
0x88: {  	v7 =	vmctz.xlane vm8;
	vm8 =	veq.f32 v8, s16  }
0x89: {  	(v2sf) =	vpush v6, $0x0;
	v6 =	vmctz.xlane vm8  }
0x8a: {  	(v2sf) =	vpush v7, $0x0  }
0x8b: {  	(v2sf) =	vpush v6, $0x0;
	_ =	sdelay $0xc  }
0x8c: {  	s17 =	spop (v2sf)  }
0x8d: {  	s15 =	spop (v2sf)  }
0x8e: {  	s18 =	spop (v2sf)  }
0x8f: {  	p0 =	slt.s32 s15, $0x10;
	s19 =	sadd.s32 $0x10, s15;
	s15 =	sadd.s32 $0x20, s18  }
0x90: {  	p1 =	slt.s32 s17, $0x10;
	s15 =	smov.u32 @p0 s19  }
0x91: {  	s15 =	smov.u32 @p1 s17  }
0x92: {  	s17 =	sshll.u32 s15, $0xC  }
0x93: {  	s17 =	sshra.s32 s17, $0x2  }
0x94: {  	v6 =	vld [tilespmem:s17+$0x200]  }
0x95: {  	v7 =	vld [tilespmem:s17+$0x210];
	_ =	sdelay $0x2  }
0x96: {  	v43 =	vld [tilespmem:s17+$0x220]  }
0x97: {  	vm8 =	veq.f32 v6, s16  }
0x98: {  	v6 =	vmctz.xlane vm8;
	vm8 =	veq.f32 v7, s16  }
0x99: {  	v9 =	vld [tilespmem:s17+$0x230];
	v7 =	vmctz.xlane vm8  }
0x9a: {  	(v2sf) =	vpush v6, $0x0  }
0x9b: {  	vm8 =	veq.f32 v43, s16;
	(v2sf) =	vpush v7, $0x0  }
0x9c: {  	v6 =	vmctz.xlane vm8;
	v7 =	vld [tilespmem:s17+$0x240];
	_ =	sdelay $0x1  }
0x9d: {  	vm8 =	veq.f32 v9, s16;
	(v2sf) =	vpush v6, $0x0  }
0x9e: {  	v44 =	vld [tilespmem:s17+$0x250];
	v6 =	vmctz.xlane vm8;
	_ =	sdelay $0x1  }
0x9f: {  	(v2sf) =	vpush v6, $0x0;
	vm8 =	veq.f32 v7, s16  }
0xa0: {  	v7 =	vld [tilespmem:s17+$0x260];
	v6 =	vmctz.xlane vm8;
	_ =	sdelay $0x1  }
0xa1: {  	vm8 =	veq.f32 v44, s16;
	(v2sf) =	vpush v6, $0x0  }
0xa2: {  	v45 =	vld [tilespmem:s17+$0x270];
	v6 =	vmctz.xlane vm8;
	_ =	sdelay $0x1  }
0xa3: {  	(v2sf) =	vpush v6, $0x0;
	vm8 =	veq.f32 v7, s16  }
0xa4: {  	v6 =	vmctz.xlane vm8  }
0xa5: {  	s18 =	spop (v2sf)  }
0xa6: {  	vm8 =	veq.f32 v45, s16;
	(v2sf) =	vpush v6, $0x0;
	s22 =	spop (v2sf)  }
0xa7: {  	v6 =	vmctz.xlane vm8;
	p0 =	slt.s32 s22, $0x10;
	s19 =	sadd.s32 $0x10, s22  }
0xa8: {  	p1 =	sgt.s32 s18, $0xF;
	s19 =	simm.s32 @!p0 $0x100000  }
0xa9: {  	s23 =	spop (v2sf);
	(v2sf) =	vpush v6, $0x0;
	s18 =	smov.u32 @p1 s19  }
0xaa: {  	s20 =	sadd.s32 $0x20, s23;
	p0 =	sgt.s32 s18, $0xFFFFF;
	s21 =	smov.u32 s18  }
0xab: {  	p1 =	slt.s32 s23, $0x10;
	s21 =	smov.u32 @p0 s20  }
0xac: {  	s24 =	spop (v2sf);
	s18 =	smov.u32 @p1 s21  }
0xad: {  	s20 =	sadd.s32 $0x30, s24;
	p0 =	sgt.s32 s18, $0xFFFFF;
	s21 =	smov.u32 s18  }
0xae: {  	p1 =	slt.s32 s24, $0x10;
	s21 =	smov.u32 @p0 s20  }
0xaf: {  	s25 =	spop (v2sf);
	s18 =	smov.u32 @p1 s21  }
0xb0: {  	s20 =	sadd.s32 $0x40, s25;
	p0 =	sgt.s32 s18, $0xFFFFF;
	s21 =	smov.u32 s18  }
0xb1: {  	p1 =	slt.s32 s25, $0x10;
	s21 =	smov.u32 @p0 s20  }
0xb2: {  	s26 =	spop (v2sf);
	s18 =	smov.u32 @p1 s21  }
0xb3: {  	s20 =	sadd.s32 $0x50, s26;
	p0 =	sgt.s32 s18, $0xFFFFF;
	s21 =	smov.u32 s18  }
0xb4: {  	p1 =	slt.s32 s26, $0x10;
	s21 =	smov.u32 @p0 s20  }
0xb5: {  	s28 =	spop (v2sf);
	s18 =	smov.u32 @p1 s21  }
0xb6: {  	s20 =	sadd.s32 $0x60, s28;
	p0 =	sgt.s32 s18, $0xFFFFF;
	s21 =	smov.u32 s18  }
0xb7: {  	p1 =	slt.s32 s28, $0x10;
	s21 =	smov.u32 @p0 s20  }
0xb8: {  	s29 =	spop (v2sf);
	s18 =	smov.u32 @p1 s21  }
0xb9: {  	s20 =	sadd.s32 $0x70, s29;
	p0 =	sgt.s32 s18, $0xFFFFF;
	s21 =	smov.u32 s18  }
0xba: {  	p1 =	slt.s32 s29, $0x10;
	s21 =	smov.u32 @p0 s20  }
0xbb: {  	s30 =	sshll.u32 s15, $0x7;
	s18 =	smov.u32 @p1 s21  }
0xbc: {  	s18 =	sadd.s32 s30, s18  }
0xbd: {  	v6 =	vmov s18  }
0xbe: {  	v7 =	vshll.u32 v6, $0x3  }
0xbf: {  	v11 =	vld [tilespmem:$0xA080];
	v6 =	vand.u32 $0x7F, v6;
	v7 =	vand.u32 $0xFFFFFC00, v7  }
0xc0: {  	v12 =	vld [tilespmem:$0xA100];
	v6 =	vor.u32 v6, v7  }
0xc1: {  	v13 =	vld [tilespmem:$0xA180];
	v7 =	vor.u32 $0x80, v6  }
0xc2: {  	v15 =	vld [tilespmem:$0xA200];
	p0 =	slt.u32 s14, $0x11;
	v46 =	vor.u32 $0x100, v6  }
0xc3: {  	v16 =	vld @!p0 [tilespmem:$0xA090];
	v47 =	vor.u32 $0x180, v6  }
0xc4: {  	v17 =	vld @!p0 [tilespmem:$0xA110]  }
0xc5: {  	v10 =	vld.idx.msk [tilespmem:v6+s2+$0x0], $0xffff  }
0xc6: {  	v7 =	vld.idx.msk [tilespmem:v7+s2+$0x0], $0xffff  }
0xc7: {  	v14 =	vor.u32 $0x300, v6;
	v8 =	vld.idx.msk [tilespmem:v46+s2+$0x0], $0xffff  }
0xc8: {  	v9 =	vld.idx.msk [tilespmem:v47+s2+$0x0], $0xffff  }
0xc9: {  	v18 =	vld @!p0 [tilespmem:$0xA190]  }
0xca: {  	v19 =	vld @!p0 [tilespmem:$0xA210]  }
0xcb: {  	v48 =	vld [tilespmem:$0xA280]  }
0xcc: {  	v14 =	vld.idx.msk [tilespmem:v14+s2+$0x0], $0xffff;
	v11 =	vmax.f32 v11, v10;
	v16 =	vmax.f32 @!p0 v16, v10  }
0xcd: {  	v13 =	vmin.f32 v13, v8;
	v12 =	vmax.f32 v12, v7;
	v15 =	vmin.f32 v15, v9  }
0xce: {  	v18 =	vmin.f32 @!p0 v18, v8;
	v11 =	vsub.f32 v13, v11;
	v12 =	vsub.f32 v15, v12;
	v15 =	vld @!p0 [tilespmem:$0xA290]  }
0xcf: {  	v17 =	vmax.f32 @!p0 v17, v7;
	v19 =	vmin.f32 @!p0 v19, v9;
	v16 =	vsub.f32 @!p0 v18, v16  }
0xd0: {  	v17 =	vsub.f32 @!p0 v19, v17;
	v11 =	vmax.f32 v11, $0.0e+00;
	v12 =	vmax.f32 v12, $0.0e+00  }
0xd1: {  	v49 =	vadd.f32 v48, v14;
	v11 =	vmul.f32 v12, v11  }
0xd2: {  	v13 =	vmax.f32 @!p0 v16, $0.0e+00;
	v16 =	vmax.f32 @!p0 v17, $0.0e+00  }
0xd3: {  	v13 =	vmul.f32 @!p0 v16, v13;
	v12 =	vsub.f32 v49, v11;
	v15 =	vadd.f32 @!p0 v15, v14;
	_ =	sdelay $0x1  }
0xd4: {  	(erf) = vrcp.f32 v12;
	v15 =	vsub.f32 @!p0 v15, v13;
	_ =	sdelay $0x1  }
0xd5: {  	(erf) = vrcp.f32 @!p0 v15;
	_ =	sdelay $0x6  }
0xd6: {  	v50 =	vpop (erf)  }
0xd7: {  	v11 =	vmul.f32 v50, v11  }
0xd8: {  	vm8 =	vgt.f32 v12, $0.0e+00;
	v12 =	vpop @!p0 (erf)  }
0xd9: {  	v16 =	vmov s14;
	vm9 =	vgt.f32 v11, $5.000000000e-01;
	v11 =	vmul.f32 @!p0 v12, v13  }
0xda: {  	vm10 =	vgt.u32 v16, v5;
	v12 =	vlaneseq.u32 @!p0;
	vm8 =	vmand vm8, vm9  }
0xdb: {  	vm9 =	vgt.f32 @!p0 v15, $0.0e+00;
	v12 =	vor.u32 @!p0 $0x10, v12;
	vm11 =	vgt.f32 @!p0 v11, $5.000000000e-01  }
0xdc: {  	vm8 =	vmand vm10, vm8;
	vm10 =	vgt.u32 @!p0 v16, v12;
	vm9 =	vmand @!p0 vm9, vm11  }
0xdd: {  	v51 =	vmpcnt.ones.xlane vm8;
	vm8 =	vmand @!p0 vm10, vm9  }
0xde: {  	v12 =	vmpcnt.ones.xlane @!p0 vm8  }
0xdf: {  	(v2sf) =	vpush v51, $0x0  }
0xe0: {  	(v2sf) =	vpush @!p0 v12, $0x0;
	_ =	sdelay $0xd  }
0xe1: {  	s31 =	spop (v2sf)  }
0xe2: {  	s19 =	spop @!p0 (v2sf)  }
0xe3: {  	s19 =	simm.s32 @p0 $0x0  }
0xe4: {  	s19 =	ssub.s32 $0x0, s19  }
0xe5: {  	vm8 =	vmmov vm0;
	p0 =	seq.s32 s31, s19  }
0xe6: {  	vm8 =	vmneg @p0 vm8  }
0xe7: {  	v52 =	vor.u32 $0x280, v6;
	vm15 =	vmand vm8, vm1;
	_ =	sdelay $0x1  }
0xe8: {  	v53 =	vor.u32 $0x80, v16  }
0xe9: {  	v54 =	vor.u32 $0x100, v16  }
0xea: {  	v55 =	vor.u32 $0x180, v16  }
0xeb: {  	v56 =	vor.u32 $0x200, v16;
	v57 =	vshll.u32 v16, $0x3;
	v11 =	vld.idx.msk [tilespmem:v52+s2+$0x0], $0xffff;
	vm8 =	vmand vm8, vm7  }
0xec: {  	v58 =	vadd.s32 v5, v57;
	[tilespmem:v16+s9+$0x0] =	vst.idx.msk vm15, v10;
	v10 =	vsel vm2, v10, v7  }
0xed: {  	v6 =	vor.u32 $0x200, v6;
	[tilespmem:v53+s9+$0x0] =	vst.idx.msk vm15, v7;
	v7 =	vsel vm3, v10, v8  }
0xee: {  	v59 =	vmov s16;
	[tilespmem:v54+s9+$0x0] =	vst.idx.msk vm15, v8;
	v7 =	vsel vm4, v7, v9  }
0xef: {  	[tilespmem:v55+s9+$0x0] =	vst.idx.msk vm15, v9;
	v7 =	vsel vm5, v7, v59  }
0xf0: {  	[tilespmem:v56+s9+$0x0] =	vst.idx.msk vm15, v14;
	v7 =	vsel vm6, v7, v11  }
0xf1: {  	[tilespmem:v58+s10+$0x0] =	vst.idx.msk vm8, v7  }
0xf2: {  	[tilespmem:v6+s2+$0x0] =	vst.idx.msk $0x1, v0  }
0xf3: {  	v6 =	vld [tilespmem:s17+$0x200]  }
0xf4: {  	v7 =	vld [tilespmem:s17+$0x210]  }
0xf5: {  	v8 =	vld [tilespmem:s17+$0x220]  }
0xf6: {  	v9 =	vld [tilespmem:s17+$0x230]  }
0xf7: {  	v60 =	vld [tilespmem:s17+$0x240]  }
0xf8: {  	v61 =	vld [tilespmem:s17+$0x250]  }
0xf9: {  	v6 =	vmax.f32 v6, v7;
	v7 =	vld [tilespmem:s17+$0x260]  }
0xfa: {  	v62 =	vld [tilespmem:s17+$0x270];
	v6 =	vmax.f32 v6, v8  }
0xfb: {  	v6 =	vmax.f32 v6, v9  }
0xfc: {  	v6 =	vmax.f32 v6, v60  }
0xfd: {  	v6 =	vmax.f32 v6, v61  }
0xfe: {  	v6 =	vmax.f32 v6, v7  }
0xff: {  	v6 =	vmax.f32 v6, v62  }
0x100: {  	[tilespmem:$0xA580] =	vst v6  }
0x101: {  	v7 =	vld.idx.msk [tilespmem:v1+s7+$0x0], $0xffff;
	_ =	sdelay $0x4  }
0x102: {  	v6 =	vmax.f32 v6, v7  }
0x103: {  	[tilespmem:$0xA580] =	vst v6  }
0x104: {  	v7 =	vld.idx.msk [tilespmem:v2+s7+$0x0], $0xffff;
	_ =	sdelay $0x4  }
0x105: {  	v6 =	vmax.f32 v6, v7  }
0x106: {  	[tilespmem:$0xA580] =	vst v6  }
0x107: {  	v7 =	vld.idx.msk [tilespmem:v3+s7+$0x0], $0xffff;
	_ =	sdelay $0x4  }
0x108: {  	v6 =	vmax.f32 v6, v7  }
0x109: {  	[tilespmem:$0xA580] =	vst v6  }
0x10a: {  	v7 =	vld.idx.msk [tilespmem:v4+s7+$0x0], $0xffff  }
0x10b: {  	v63 =	vmov s15;
	_ =	sdelay $0x3  }
0x10c: {  	v6 =	vmax.f32 v6, v7  }
0x10d: {  	[tilespmem:v63+s8+$0x0] =	vst.idx.msk $0x1, v6  }
0x10e: {  	v6 =	vld [tilespmem:$0xA000]  }
0x10f: {  	v7 =	vld [tilespmem:$0xA010]  }
0x110: {  	v8 =	vld [tilespmem:$0xA020];
	_ =	sdelay $0x3  }
0x111: {  	v6 =	vmax.f32 v6, v7  }
0x112: {  	v6 =	vmax.f32 v6, v8  }
0x113: {  	[tilespmem:$0xA580] =	vst v6  }
0x114: {  	v7 =	vld.idx.msk [tilespmem:v1+s7+$0x0], $0xffff;
	_ =	sdelay $0x4  }
0x115: {  	v6 =	vmax.f32 v6, v7  }
0x116: {  	[tilespmem:$0xA580] =	vst v6  }
0x117: {  	v7 =	vld.idx.msk [tilespmem:v2+s7+$0x0], $0xffff;
	_ =	sdelay $0x4  }
0x118: {  	v6 =	vmax.f32 v6, v7  }
0x119: {  	[tilespmem:$0xA580] =	vst v6  }
0x11a: {  	v7 =	vld.idx.msk [tilespmem:v3+s7+$0x0], $0xffff;
	_ =	sdelay $0x4  }
0x11b: {  	v6 =	vmax.f32 v6, v7  }
0x11c: {  	[tilespmem:$0xA580] =	vst v6  }
0x11d: {  	v7 =	vld.idx.msk [tilespmem:v4+s7+$0x0], $0xffff;
	_ =	sdelay $0x4  }
0x11e: {  	v6 =	vmax.f32 v6, v7  }
0x11f: {  	(v2sf) =	vpush v6, $0x0;
	_ =	sdelay $0xb  }
0x120: {  	s15 =	simm.s32 $0x1  }
0x121: {  	s15 =	simm.s32 @!p0 $0x0  }
0x122: {  	s14 =	sadd.s32 s15, s14  }
0x123: {  	p0 =	sgt.u32 s14, $0x1D;
	s16 =	spop (v2sf)  }
0x124: {  	p1 =	sgt.f32 @!p0 s16, $0.0e+00;
	_ =	sdelay $0x1  }
0x125: {  	p0 =	por p0, !p1  }
.Ltmp5:
0x126: {  	_ = 	snop;
	(pc) =	sbr.rel @!p0 .LBB2_5-.Ltmp5, $1  }
0x127: {  	_ =	sdelay $0x3  }
.Ltmp6:
0x128: {  	_ = 	snop;
	(pc) =	sbr.rel .LBB2_6-.Ltmp6, $1  }
0x129: {  	_ =	sdelay $0x3  }
.LBB2_7:
0x12a: {  	_ =	sfence.sel $0x180000  }
0x12b: {  	[bflag:$0x0] =	sbarrier.arrive $0xFFFF  }
0x12c: {  	p0 =	sne.s32 s1, $0x0;
	_ =	strace $0x90000047  }
0x12d: {  	s0 =	sadd.s32 @!p0 $0x100000, s0;
	[bflag:$0x2] =	sbarrier.arrive $0xFFFF  }
0x12e: {  	[sflag:s0] =	ssyncadd.tile.s32 @!p0 $0x1;
	_ =	shalt  }
.Lfunc_end2:
_tile_overlayer_lowered:
.L_overlay_start_2:
0x12f: {  	(tag) =	ssettag $0x2  }
0x130: {  	s0 =	rddreg [dreg:$0x0];
	s2 =	stileid.u32  }
0x131: {  	s1 =	rddreg [dreg:$0x1];
	p0 =	sne.s32 s2, $0x0  }
0x132: {  	s3 =	rddreg [dreg:$0x2];
	[bflag:$0x3] =	sbarrier.arrive $0xFFFF;
	s2 =	simm.s32 @!p0 $0x1C01  }
0x133: {  	[timem:s3], [sflag:s2] =	dma.local @!p0 [hbm:s0], s1  }
0x134: {  	s0 =	simm.s32 @!p0 $0x1  }
0x135: {  	_ =	swait.ge @!p0 [sflag:s0], s1  }
0x136: {  	s1 =	ssub.s32 @!p0 $0x0, s1;
	[sflag:s0] =	ssyncset.done @!p0 $0x0  }
0x137: {  	[sflag:s0] =	ssyncadd.s32 @!p0 s1  }
0x138: {  	[bflag:$0x3] =	sbarrier.arrive $0xFFFF  }
0x139: {  	_ =	shalt  }

</sc_bundles>
